<compile_context>
chip_gen: v7x
topology: tpu7x:2x2x1
jax: 0.10.2.dev20260603
libtpu: 0.0.44.dev20260713+nightly
codegen_flags: <defaults>
</compile_context>

<pallas_src>
import functools

import jax
import jax.numpy as jnp
from jax import lax
from jax.experimental import pallas as pl
from jax.experimental.pallas import tpu as pltpu
from jax.experimental.pallas import tpu_sc as plsc

VOCAB = 100000
D = 64
T = 200
B = 4096
NC = 2
NS = 16
NW = NC * NS
ROWS_PER_W = B // NW
LANES = 16
C = 4
CT = C * T
NCHUNK = ROWS_PER_W // C
NSTEP = NCHUNK // 2


def _emb_body(ids_hbm, tok_hbm, pos_hbm, out_hbm,
              idx0, idx1, rows0, rows1, pos_v,
              gsem0, gsem1, wsem0, wsem1):
    wid = lax.axis_index("s") * NC + lax.axis_index("c")
    tok_base = wid * ROWS_PER_W * T
    pltpu.sync_copy(pos_hbm, pos_v)

    idx = (idx0, idx1)
    rows = (rows0, rows1)
    gsem = (gsem0, gsem1)
    wsem = (wsem0, wsem1)

    def add_pos(rbuf):
        def add_t(t, c):
            for j in range(D // LANES):
                sl = pl.ds(j * LANES, LANES)
                pv = pos_v[t, sl]
                for cc in range(C):
                    plsc.addupdate(rbuf.at[cc * T + t, sl], pv)
            return c
        lax.fori_loop(0, T, add_t, 0)

    pltpu.sync_copy(ids_hbm.at[pl.ds(tok_base, CT)], idx0)
    pltpu.async_copy(tok_hbm.at[idx0], rows0, gsem0)

    def step_body(s, carry):
        for b in range(2):
            g = 2 * s + b
            nb = 1 - b
            tok0 = tok_base + g * CT
            if b == 0:
                pltpu.sync_copy(ids_hbm.at[pl.ds(tok0 + CT, CT)], idx[nb])

                @pl.when(s > 0)
                def _wait_prev_write():
                    pltpu.make_async_copy(
                        rows[nb], out_hbm.at[pl.ds(tok0 - CT, CT)], wsem[nb]
                    ).wait()

                pltpu.async_copy(tok_hbm.at[idx[nb]], rows[nb], gsem[nb])
            else:
                @pl.when(s < NSTEP - 1)
                def _stage_next():
                    pltpu.sync_copy(ids_hbm.at[pl.ds(tok0 + CT, CT)], idx[nb])
                    pltpu.make_async_copy(
                        rows[nb], out_hbm.at[pl.ds(tok0 - CT, CT)], wsem[nb]
                    ).wait()
                    pltpu.async_copy(tok_hbm.at[idx[nb]], rows[nb], gsem[nb])

            pltpu.make_async_copy(tok_hbm.at[idx[b]], rows[b], gsem[b]).wait()
            add_pos(rows[b])
            pltpu.async_copy(rows[b], out_hbm.at[pl.ds(tok0, CT)], wsem[b])
        return carry

    lax.fori_loop(0, NSTEP, step_body, 0)

    pltpu.make_async_copy(
        rows0, out_hbm.at[pl.ds(tok_base + (NCHUNK - 2) * CT, CT)], wsem0
    ).wait()
    pltpu.make_async_copy(
        rows1, out_hbm.at[pl.ds(tok_base + (NCHUNK - 1) * CT, CT)], wsem1
    ).wait()


_emb_kernel = functools.partial(
    pl.kernel,
    out_type=jax.ShapeDtypeStruct((B * T, D), jnp.float32),
    mesh=plsc.VectorSubcoreMesh(core_axis_name="c", subcore_axis_name="s"),
    scratch_types=[
        pltpu.VMEM((CT,), jnp.int32),
        pltpu.VMEM((CT,), jnp.int32),
        pltpu.VMEM((CT, D), jnp.float32),
        pltpu.VMEM((CT, D), jnp.float32),
        pltpu.VMEM((T, D), jnp.float32),
        pltpu.SemaphoreType.DMA,
        pltpu.SemaphoreType.DMA,
        pltpu.SemaphoreType.DMA,
        pltpu.SemaphoreType.DMA,
    ],
    compiler_params=pltpu.CompilerParams(use_tc_tiling_on_sc=False),
)(_emb_body)


def kernel(input_ids, tok_table, pos_table):
    batch, block = input_ids.shape
    ids_flat = input_ids.reshape(-1).astype(jnp.int32)
    out = _emb_kernel(ids_flat, tok_table, pos_table)
    return out.reshape(batch, block, D)

# --- scband reference (transcript-rebuilt; emitter-appended) ---
"""Pipeline reference for scband-embedding-layer-35399120453769 (READ-ONLY COPY).

The authoritative reference and input builder live on the scoring server;
editing this copy changes nothing except your own understanding.
"""

import jax, jax.numpy as jnp
import numpy as np

VOCAB_SIZE = 100000
EMBED_DIM = 64
BLOCK_SIZE = 200
BATCH = 4096

def setup_inputs(seed: int = 0) -> dict:
    key = jax.random.key(seed)
    k1, k2, k3 = jax.random.split(key, 3)
    input_ids = jax.random.randint(k1, (BATCH, BLOCK_SIZE), 0, VOCAB_SIZE, dtype=jnp.int64 if jax.config.jax_enable_x64 else jnp.int32)
    tok_table = jax.random.normal(k2, (VOCAB_SIZE, EMBED_DIM), dtype=jnp.float32)
    pos_table = jax.random.normal(k3, (BLOCK_SIZE, EMBED_DIM), dtype=jnp.float32)
    return {"input_ids": input_ids, "tok_table": tok_table, "pos_table": pos_table}

def reference(input_ids, tok_table, pos_table):
    batch, block_size = input_ids.shape
    token_embeddings = jnp.take(tok_table, input_ids, axis=0)
    position_embeddings = jnp.take(pos_table, jnp.arange(block_size), axis=0)
    token = token_embeddings + position_embeddings[None, :, :]
    return token

if __name__ == "__main__":
    import jax
    _d = setup_inputs()
    print(jax.jit(kernel)(*tuple(_d.values())))

</pallas_src>

<mosaic_0001>
#map = affine_map<(d0, d1) -> (0)>
#map1 = affine_map<(d0, d1) -> (0, 0)>
module attributes {stable_mosaic.version = 14 : i64} {
  func.func @_emb_body(%arg0: i32, %arg1: i32, %arg2: memref<819200xi32, #tpu.memory_space<hbm>>, %arg3: memref<100000x64xf32, #tpu.memory_space<hbm>>, %arg4: memref<200x64xf32, #tpu.memory_space<hbm>>, %arg5: memref<819200x64xf32, #tpu.memory_space<hbm>>, %arg6: memref<800xi32, #tpu.memory_space<vmem>>, %arg7: memref<800xi32, #tpu.memory_space<vmem>>, %arg8: memref<800x64xf32, #tpu.memory_space<vmem>>, %arg9: memref<800x64xf32, #tpu.memory_space<vmem>>, %arg10: memref<200x64xf32, #tpu.memory_space<vmem>>, %arg11: memref<!tpu.dma_semaphore, #tpu.memory_space<semaphore_mem>>, %arg12: memref<!tpu.dma_semaphore, #tpu.memory_space<semaphore_mem>>, %arg13: memref<!tpu.dma_semaphore, #tpu.memory_space<semaphore_mem>>, %arg14: memref<!tpu.dma_semaphore, #tpu.memory_space<semaphore_mem>>) attributes {dimension_semantics = [#tpu.dimension_semantics<core_parallel>, #tpu.dimension_semantics<subcore_parallel>], iteration_bounds = array<i64: 2, 16>, scalar_prefetch = 0 : i64, scratch_operands = 9 : i64, tpu.core_type = #tpu.core_type<sc_vector_subcore>, window_params = [{transform_indices = #map}, {transform_indices = #map1}, {transform_indices = #map1}, {transform_indices = #map1}]} {
    %mul3A = arith.constant 2 : i32
    %mul3A_0 = arith.muli %arg1, %mul3A : i32
    %add3A = arith.addi %mul3A_0, %arg0 : i32
    %mul3A_1 = arith.constant 128 : i32
    %mul3A_2 = arith.muli %add3A, %mul3A_1 : i32
    %mul3A_3 = arith.constant 200 : i32
    %mul3A_4 = arith.muli %mul3A_2, %mul3A_3 : i32
    "tpu.region"() ({
      %run_scoped3A = tpu.sem_alloc : memref<!tpu.dma_semaphore, #tpu.memory_space<semaphore_mem>>
      tpu.enqueue_dma source(%arg4 : memref<200x64xf32, #tpu.memory_space<hbm>>) target(%arg10 : memref<200x64xf32, #tpu.memory_space<vmem>>) target_semaphore(%run_scoped3A : memref<!tpu.dma_semaphore, #tpu.memory_space<semaphore_mem>>)
      tpu.wait_dma2 semaphore(%run_scoped3A : memref<!tpu.dma_semaphore, #tpu.memory_space<semaphore_mem>>) src(%arg4 : memref<200x64xf32, #tpu.memory_space<hbm>>) dst(%arg10 : memref<200x64xf32, #tpu.memory_space<vmem>>)
      tpu.yield
    }) : () -> ()
    "tpu.region"() ({
      %run_scoped3A = tpu.sem_alloc : memref<!tpu.dma_semaphore, #tpu.memory_space<semaphore_mem>>
      %dma_start3A_23 = tpu.memref_slice %arg2[%mul3A_4] : memref<819200xi32, #tpu.memory_space<hbm>> -> memref<800xi32, #tpu.memory_space<hbm>>
      %dma_start3A_24 = tpu.memref_slice %arg2[%mul3A_4] : memref<819200xi32, #tpu.memory_space<hbm>> -> memref<800xi32, #tpu.memory_space<hbm>>
      tpu.enqueue_dma source(%dma_start3A_24 : memref<800xi32, #tpu.memory_space<hbm>>) target(%arg6 : memref<800xi32, #tpu.memory_space<vmem>>) target_semaphore(%run_scoped3A : memref<!tpu.dma_semaphore, #tpu.memory_space<semaphore_mem>>)
      %dma_wait3A_25 = tpu.memref_slice %arg2[%mul3A_4] : memref<819200xi32, #tpu.memory_space<hbm>> -> memref<800xi32, #tpu.memory_space<hbm>>
      %dma_wait3A_26 = tpu.memref_slice %arg2[%mul3A_4] : memref<819200xi32, #tpu.memory_space<hbm>> -> memref<800xi32, #tpu.memory_space<hbm>>
      tpu.wait_dma2 semaphore(%run_scoped3A : memref<!tpu.dma_semaphore, #tpu.memory_space<semaphore_mem>>) src(%dma_wait3A_26 : memref<800xi32, #tpu.memory_space<hbm>>) dst(%arg6 : memref<800xi32, #tpu.memory_space<vmem>>)
      tpu.yield
    }) : () -> ()
    %dma_start3A = arith.constant 0 : i32
    %dma_start3A_5 = arith.constant 0 : i32
    %dma_start3A_6 = tpu.memref_slice %arg3[%dma_start3A, %dma_start3A_5] : memref<100000x64xf32, #tpu.memory_space<hbm>> -> memref<100000x64xf32, #tpu.memory_space<hbm>>
    tpu.enqueue_indirect_dma source(%dma_start3A_6 : memref<100000x64xf32, #tpu.memory_space<hbm>>) target(%arg8 : memref<800x64xf32, #tpu.memory_space<vmem>>) offsets(%arg6 : memref<800xi32, #tpu.memory_space<vmem>>) semaphore(%arg11 : memref<!tpu.dma_semaphore, #tpu.memory_space<semaphore_mem>>)
    %scan3A = arith.constant 0 : i32
    %scan3A_7 = arith.constant 0 : i32
    %scan3A_8 = arith.constant 16 : i32
    %scan3A_9 = arith.addi %scan3A_7, %scan3A_8 : i32
    %scan3A_10 = arith.constant 1 : i32
    scf.for %scan3A_23 = %scan3A_7 to %scan3A_9 step %scan3A_10  : i32 {
      %mul3A_24 = arith.constant 2 : i32
      %mul3A_25 = arith.muli %mul3A_24, %scan3A_23 : i32
      %add3A_26 = arith.constant 0 : i32
      %add3A_27 = arith.addi %mul3A_25, %add3A_26 : i32
      %mul3A_28 = arith.constant 800 : i32
      %mul3A_29 = arith.muli %add3A_27, %mul3A_28 : i32
      %add3A_30 = arith.addi %mul3A_4, %mul3A_29 : i32
      %add3A_31 = arith.constant 800 : i32
      %add3A_32 = arith.addi %add3A_30, %add3A_31 : i32
      "tpu.region"() ({
        %run_scoped3A = tpu.sem_alloc : memref<!tpu.dma_semaphore, #tpu.memory_space<semaphore_mem>>
        %dma_start3A_75 = tpu.memref_slice %arg2[%add3A_32] : memref<819200xi32, #tpu.memory_space<hbm>> -> memref<800xi32, #tpu.memory_space<hbm>>
        %dma_start3A_76 = tpu.memref_slice %arg2[%add3A_32] : memref<819200xi32, #tpu.memory_space<hbm>> -> memref<800xi32, #tpu.memory_space<hbm>>
        tpu.enqueue_dma source(%dma_start3A_76 : memref<800xi32, #tpu.memory_space<hbm>>) target(%arg7 : memref<800xi32, #tpu.memory_space<vmem>>) target_semaphore(%run_scoped3A : memref<!tpu.dma_semaphore, #tpu.memory_space<semaphore_mem>>)
        %dma_wait3A_77 = tpu.memref_slice %arg2[%add3A_32] : memref<819200xi32, #tpu.memory_space<hbm>> -> memref<800xi32, #tpu.memory_space<hbm>>
        %dma_wait3A_78 = tpu.memref_slice %arg2[%add3A_32] : memref<819200xi32, #tpu.memory_space<hbm>> -> memref<800xi32, #tpu.memory_space<hbm>>
        tpu.wait_dma2 semaphore(%run_scoped3A : memref<!tpu.dma_semaphore, #tpu.memory_space<semaphore_mem>>) src(%dma_wait3A_78 : memref<800xi32, #tpu.memory_space<hbm>>) dst(%arg7 : memref<800xi32, #tpu.memory_space<vmem>>)
        tpu.yield
      }) : () -> ()
      %gt3A = arith.constant 0 : i32
      %gt3A_33 = arith.cmpi sgt, %scan3A_23, %gt3A : i32
      %convert_element_type3A = arith.extui %gt3A_33 : i1 to i32
      %cond3A = arith.constant 0 : i32
      %cond3A_34 = arith.cmpi ne, %convert_element_type3A, %cond3A : i32
      scf.if %cond3A_34 {
        %sub3A = arith.constant 800 : i32
        %sub3A_75 = arith.subi %add3A_30, %sub3A : i32
        %dma_wait3A_76 = arith.constant 0 : i32
        %dma_wait3A_77 = tpu.memref_slice %arg5[%sub3A_75, %dma_wait3A_76] : memref<819200x64xf32, #tpu.memory_space<hbm>> -> memref<800x64xf32, #tpu.memory_space<hbm>>
        %dma_wait3A_78 = arith.constant 0 : i32
        %dma_wait3A_79 = tpu.memref_slice %arg5[%sub3A_75, %dma_wait3A_78] : memref<819200x64xf32, #tpu.memory_space<hbm>> -> memref<800x64xf32, #tpu.memory_space<hbm>>
        tpu.wait_dma2 semaphore(%arg14 : memref<!tpu.dma_semaphore, #tpu.memory_space<semaphore_mem>>) src(%arg9 : memref<800x64xf32, #tpu.memory_space<vmem>>) dst(%dma_wait3A_79 : memref<800x64xf32, #tpu.memory_space<hbm>>)
      } else {
      }
      %dma_start3A_35 = arith.constant 0 : i32
      %dma_start3A_36 = arith.constant 0 : i32
      %dma_start3A_37 = tpu.memref_slice %arg3[%dma_start3A_35, %dma_start3A_36] : memref<100000x64xf32, #tpu.memory_space<hbm>> -> memref<100000x64xf32, #tpu.memory_space<hbm>>
      tpu.enqueue_indirect_dma source(%dma_start3A_37 : memref<100000x64xf32, #tpu.memory_space<hbm>>) target(%arg9 : memref<800x64xf32, #tpu.memory_space<vmem>>) offsets(%arg7 : memref<800xi32, #tpu.memory_space<vmem>>) semaphore(%arg12 : memref<!tpu.dma_semaphore, #tpu.memory_space<semaphore_mem>>)
      %dma_wait3A_38 = arith.constant 0 : i32
      %dma_wait3A_39 = arith.constant 0 : i32
      %dma_wait3A_40 = tpu.memref_slice %arg3[%dma_wait3A_38, %dma_wait3A_39] : memref<100000x64xf32, #tpu.memory_space<hbm>> -> memref<100000x64xf32, #tpu.memory_space<hbm>>
      tpu.wait_indirect_dma semaphore(%arg11 : memref<!tpu.dma_semaphore, #tpu.memory_space<semaphore_mem>>) src(%dma_wait3A_40 : memref<100000x64xf32, #tpu.memory_space<hbm>>) dst(%arg8 : memref<800x64xf32, #tpu.memory_space<vmem>>)
      %scan3A_41 = arith.constant 0 : i32
      %scan3A_42 = arith.constant 0 : i32
      %scan3A_43 = arith.constant 200 : i32
      %scan3A_44 = arith.addi %scan3A_42, %scan3A_43 : i32
      %scan3A_45 = arith.constant 1 : i32
      scf.for %scan3A_75 = %scan3A_42 to %scan3A_44 step %scan3A_45  : i32 {
        %get3A = arith.index_cast %scan3A_75 : i32 to index
        %get3A_76 = arith.constant 0 : index
        %get3A_77 = tpu.vector_load %arg10[%get3A, %get3A_76] {strides = array<i32>} : memref<200x64xf32, #tpu.memory_space<vmem>>, vector<1x16xf32>,
        %get3A_78 = vector.shape_cast %get3A_77 : vector<1x16xf32> to vector<16xf32>
        %add3A_79 = arith.constant 0 : i32
        %add3A_80 = arith.addi %add3A_79, %scan3A_75 : i32
        %swap3A = arith.index_cast %add3A_80 : i32 to index
        %swap3A_81 = arith.constant 0 : index
        %swap3A_82 = tpu.vector_load %arg8[%swap3A, %swap3A_81] {strides = array<i32>} : memref<800x64xf32, #tpu.memory_space<vmem>>, vector<1x16xf32>,
        %swap3A_83 = vector.shape_cast %swap3A_82 : vector<1x16xf32> to vector<16xf32>
        %swap3A_84 = vector.shape_cast %get3A_78 : vector<16xf32> to vector<1x16xf32>
        tpu.vector_store %arg8[%swap3A, %swap3A_81], %swap3A_84 {add = true, strides = array<i32>} : memref<800x64xf32, #tpu.memory_space<vmem>>, vector<1x16xf32>,
        %add3A_85 = arith.constant 200 : i32
        %add3A_86 = arith.addi %add3A_85, %scan3A_75 : i32
        %swap3A_87 = arith.index_cast %add3A_86 : i32 to index
        %swap3A_88 = arith.constant 0 : index
        %swap3A_89 = tpu.vector_load %arg8[%swap3A_87, %swap3A_88] {strides = array<i32>} : memref<800x64xf32, #tpu.memory_space<vmem>>, vector<1x16xf32>,
        %swap3A_90 = vector.shape_cast %swap3A_89 : vector<1x16xf32> to vector<16xf32>
        %swap3A_91 = vector.shape_cast %get3A_78 : vector<16xf32> to vector<1x16xf32>
        tpu.vector_store %arg8[%swap3A_87, %swap3A_88], %swap3A_91 {add = true, strides = array<i32>} : memref<800x64xf32, #tpu.memory_space<vmem>>, vector<1x16xf32>,
        %add3A_92 = arith.constant 400 : i32
        %add3A_93 = arith.addi %add3A_92, %scan3A_75 : i32
        %swap3A_94 = arith.index_cast %add3A_93 : i32 to index
        %swap3A_95 = arith.constant 0 : index
        %swap3A_96 = tpu.vector_load %arg8[%swap3A_94, %swap3A_95] {strides = array<i32>} : memref<800x64xf32, #tpu.memory_space<vmem>>, vector<1x16xf32>,
        %swap3A_97 = vector.shape_cast %swap3A_96 : vector<1x16xf32> to vector<16xf32>
        %swap3A_98 = vector.shape_cast %get3A_78 : vector<16xf32> to vector<1x16xf32>
        tpu.vector_store %arg8[%swap3A_94, %swap3A_95], %swap3A_98 {add = true, strides = array<i32>} : memref<800x64xf32, #tpu.memory_space<vmem>>, vector<1x16xf32>,
        %add3A_99 = arith.constant 600 : i32
        %add3A_100 = arith.addi %add3A_99, %scan3A_75 : i32
        %swap3A_101 = arith.index_cast %add3A_100 : i32 to index
        %swap3A_102 = arith.constant 0 : index
        %swap3A_103 = tpu.vector_load %arg8[%swap3A_101, %swap3A_102] {strides = array<i32>} : memref<800x64xf32, #tpu.memory_space<vmem>>, vector<1x16xf32>,
        %swap3A_104 = vector.shape_cast %swap3A_103 : vector<1x16xf32> to vector<16xf32>
        %swap3A_105 = vector.shape_cast %get3A_78 : vector<16xf32> to vector<1x16xf32>
        tpu.vector_store %arg8[%swap3A_101, %swap3A_102], %swap3A_105 {add = true, strides = array<i32>} : memref<800x64xf32, #tpu.memory_space<vmem>>, vector<1x16xf32>,
        %get3A_106 = arith.index_cast %scan3A_75 : i32 to index
        %get3A_107 = arith.constant 16 : index
        %get3A_108 = tpu.vector_load %arg10[%get3A_106, %get3A_107] {strides = array<i32>} : memref<200x64xf32, #tpu.memory_space<vmem>>, vector<1x16xf32>,
        %get3A_109 = vector.shape_cast %get3A_108 : vector<1x16xf32> to vector<16xf32>
        %add3A_110 = arith.constant 0 : i32
        %add3A_111 = arith.addi %add3A_110, %scan3A_75 : i32
        %swap3A_112 = arith.index_cast %add3A_111 : i32 to index
        %swap3A_113 = arith.constant 16 : index
        %swap3A_114 = tpu.vector_load %arg8[%swap3A_112, %swap3A_113] {strides = array<i32>} : memref<800x64xf32, #tpu.memory_space<vmem>>, vector<1x16xf32>,
        %swap3A_115 = vector.shape_cast %swap3A_114 : vector<1x16xf32> to vector<16xf32>
        %swap3A_116 = vector.shape_cast %get3A_109 : vector<16xf32> to vector<1x16xf32>
        tpu.vector_store %arg8[%swap3A_112, %swap3A_113], %swap3A_116 {add = true, strides = array<i32>} : memref<800x64xf32, #tpu.memory_space<vmem>>, vector<1x16xf32>,
        %add3A_117 = arith.constant 200 : i32
        %add3A_118 = arith.addi %add3A_117, %scan3A_75 : i32
        %swap3A_119 = arith.index_cast %add3A_118 : i32 to index
        %swap3A_120 = arith.constant 16 : index
        %swap3A_121 = tpu.vector_load %arg8[%swap3A_119, %swap3A_120] {strides = array<i32>} : memref<800x64xf32, #tpu.memory_space<vmem>>, vector<1x16xf32>,
        %swap3A_122 = vector.shape_cast %swap3A_121 : vector<1x16xf32> to vector<16xf32>
        %swap3A_123 = vector.shape_cast %get3A_109 : vector<16xf32> to vector<1x16xf32>
        tpu.vector_store %arg8[%swap3A_119, %swap3A_120], %swap3A_123 {add = true, strides = array<i32>} : memref<800x64xf32, #tpu.memory_space<vmem>>, vector<1x16xf32>,
        %add3A_124 = arith.constant 400 : i32
        %add3A_125 = arith.addi %add3A_124, %scan3A_75 : i32
        %swap3A_126 = arith.index_cast %add3A_125 : i32 to index
        %swap3A_127 = arith.constant 16 : index
        %swap3A_128 = tpu.vector_load %arg8[%swap3A_126, %swap3A_127] {strides = array<i32>} : memref<800x64xf32, #tpu.memory_space<vmem>>, vector<1x16xf32>,
        %swap3A_129 = vector.shape_cast %swap3A_128 : vector<1x16xf32> to vector<16xf32>
        %swap3A_130 = vector.shape_cast %get3A_109 : vector<16xf32> to vector<1x16xf32>
        tpu.vector_store %arg8[%swap3A_126, %swap3A_127], %swap3A_130 {add = true, strides = array<i32>} : memref<800x64xf32, #tpu.memory_space<vmem>>, vector<1x16xf32>,
        %add3A_131 = arith.constant 600 : i32
        %add3A_132 = arith.addi %add3A_131, %scan3A_75 : i32
        %swap3A_133 = arith.index_cast %add3A_132 : i32 to index
        %swap3A_134 = arith.constant 16 : index
        %swap3A_135 = tpu.vector_load %arg8[%swap3A_133, %swap3A_134] {strides = array<i32>} : memref<800x64xf32, #tpu.memory_space<vmem>>, vector<1x16xf32>,
        %swap3A_136 = vector.shape_cast %swap3A_135 : vector<1x16xf32> to vector<16xf32>
        %swap3A_137 = vector.shape_cast %get3A_109 : vector<16xf32> to vector<1x16xf32>
        tpu.vector_store %arg8[%swap3A_133, %swap3A_134], %swap3A_137 {add = true, strides = array<i32>} : memref<800x64xf32, #tpu.memory_space<vmem>>, vector<1x16xf32>,
        %get3A_138 = arith.index_cast %scan3A_75 : i32 to index
        %get3A_139 = arith.constant 32 : index
        %get3A_140 = tpu.vector_load %arg10[%get3A_138, %get3A_139] {strides = array<i32>} : memref<200x64xf32, #tpu.memory_space<vmem>>, vector<1x16xf32>,
        %get3A_141 = vector.shape_cast %get3A_140 : vector<1x16xf32> to vector<16xf32>
        %add3A_142 = arith.constant 0 : i32
        %add3A_143 = arith.addi %add3A_142, %scan3A_75 : i32
        %swap3A_144 = arith.index_cast %add3A_143 : i32 to index
        %swap3A_145 = arith.constant 32 : index
        %swap3A_146 = tpu.vector_load %arg8[%swap3A_144, %swap3A_145] {strides = array<i32>} : memref<800x64xf32, #tpu.memory_space<vmem>>, vector<1x16xf32>,
        %swap3A_147 = vector.shape_cast %swap3A_146 : vector<1x16xf32> to vector<16xf32>
        %swap3A_148 = vector.shape_cast %get3A_141 : vector<16xf32> to vector<1x16xf32>
        tpu.vector_store %arg8[%swap3A_144, %swap3A_145], %swap3A_148 {add = true, strides = array<i32>} : memref<800x64xf32, #tpu.memory_space<vmem>>, vector<1x16xf32>,
        %add3A_149 = arith.constant 200 : i32
        %add3A_150 = arith.addi %add3A_149, %scan3A_75 : i32
        %swap3A_151 = arith.index_cast %add3A_150 : i32 to index
        %swap3A_152 = arith.constant 32 : index
        %swap3A_153 = tpu.vector_load %arg8[%swap3A_151, %swap3A_152] {strides = array<i32>} : memref<800x64xf32, #tpu.memory_space<vmem>>, vector<1x16xf32>,
        %swap3A_154 = vector.shape_cast %swap3A_153 : vector<1x16xf32> to vector<16xf32>
        %swap3A_155 = vector.shape_cast %get3A_141 : vector<16xf32> to vector<1x16xf32>
        tpu.vector_store %arg8[%swap3A_151, %swap3A_152], %swap3A_155 {add = true, strides = array<i32>} : memref<800x64xf32, #tpu.memory_space<vmem>>, vector<1x16xf32>,
        %add3A_156 = arith.constant 400 : i32
        %add3A_157 = arith.addi %add3A_156, %scan3A_75 : i32
        %swap3A_158 = arith.index_cast %add3A_157 : i32 to index
        %swap3A_159 = arith.constant 32 : index
        %swap3A_160 = tpu.vector_load %arg8[%swap3A_158, %swap3A_159] {strides = array<i32>} : memref<800x64xf32, #tpu.memory_space<vmem>>, vector<1x16xf32>,
        %swap3A_161 = vector.shape_cast %swap3A_160 : vector<1x16xf32> to vector<16xf32>
        %swap3A_162 = vector.shape_cast %get3A_141 : vector<16xf32> to vector<1x16xf32>
        tpu.vector_store %arg8[%swap3A_158, %swap3A_159], %swap3A_162 {add = true, strides = array<i32>} : memref<800x64xf32, #tpu.memory_space<vmem>>, vector<1x16xf32>,
        %add3A_163 = arith.constant 600 : i32
        %add3A_164 = arith.addi %add3A_163, %scan3A_75 : i32
        %swap3A_165 = arith.index_cast %add3A_164 : i32 to index
        %swap3A_166 = arith.constant 32 : index
        %swap3A_167 = tpu.vector_load %arg8[%swap3A_165, %swap3A_166] {strides = array<i32>} : memref<800x64xf32, #tpu.memory_space<vmem>>, vector<1x16xf32>,
        %swap3A_168 = vector.shape_cast %swap3A_167 : vector<1x16xf32> to vector<16xf32>
        %swap3A_169 = vector.shape_cast %get3A_141 : vector<16xf32> to vector<1x16xf32>
        tpu.vector_store %arg8[%swap3A_165, %swap3A_166], %swap3A_169 {add = true, strides = array<i32>} : memref<800x64xf32, #tpu.memory_space<vmem>>, vector<1x16xf32>,
        %get3A_170 = arith.index_cast %scan3A_75 : i32 to index
        %get3A_171 = arith.constant 48 : index
        %get3A_172 = tpu.vector_load %arg10[%get3A_170, %get3A_171] {strides = array<i32>} : memref<200x64xf32, #tpu.memory_space<vmem>>, vector<1x16xf32>,
        %get3A_173 = vector.shape_cast %get3A_172 : vector<1x16xf32> to vector<16xf32>
        %add3A_174 = arith.constant 0 : i32
        %add3A_175 = arith.addi %add3A_174, %scan3A_75 : i32
        %swap3A_176 = arith.index_cast %add3A_175 : i32 to index
        %swap3A_177 = arith.constant 48 : index
        %swap3A_178 = tpu.vector_load %arg8[%swap3A_176, %swap3A_177] {strides = array<i32>} : memref<800x64xf32, #tpu.memory_space<vmem>>, vector<1x16xf32>,
        %swap3A_179 = vector.shape_cast %swap3A_178 : vector<1x16xf32> to vector<16xf32>
        %swap3A_180 = vector.shape_cast %get3A_173 : vector<16xf32> to vector<1x16xf32>
        tpu.vector_store %arg8[%swap3A_176, %swap3A_177], %swap3A_180 {add = true, strides = array<i32>} : memref<800x64xf32, #tpu.memory_space<vmem>>, vector<1x16xf32>,
        %add3A_181 = arith.constant 200 : i32
        %add3A_182 = arith.addi %add3A_181, %scan3A_75 : i32
        %swap3A_183 = arith.index_cast %add3A_182 : i32 to index
        %swap3A_184 = arith.constant 48 : index
        %swap3A_185 = tpu.vector_load %arg8[%swap3A_183, %swap3A_184] {strides = array<i32>} : memref<800x64xf32, #tpu.memory_space<vmem>>, vector<1x16xf32>,
        %swap3A_186 = vector.shape_cast %swap3A_185 : vector<1x16xf32> to vector<16xf32>
        %swap3A_187 = vector.shape_cast %get3A_173 : vector<16xf32> to vector<1x16xf32>
        tpu.vector_store %arg8[%swap3A_183, %swap3A_184], %swap3A_187 {add = true, strides = array<i32>} : memref<800x64xf32, #tpu.memory_space<vmem>>, vector<1x16xf32>,
        %add3A_188 = arith.constant 400 : i32
        %add3A_189 = arith.addi %add3A_188, %scan3A_75 : i32
        %swap3A_190 = arith.index_cast %add3A_189 : i32 to index
        %swap3A_191 = arith.constant 48 : index
        %swap3A_192 = tpu.vector_load %arg8[%swap3A_190, %swap3A_191] {strides = array<i32>} : memref<800x64xf32, #tpu.memory_space<vmem>>, vector<1x16xf32>,
        %swap3A_193 = vector.shape_cast %swap3A_192 : vector<1x16xf32> to vector<16xf32>
        %swap3A_194 = vector.shape_cast %get3A_173 : vector<16xf32> to vector<1x16xf32>
        tpu.vector_store %arg8[%swap3A_190, %swap3A_191], %swap3A_194 {add = true, strides = array<i32>} : memref<800x64xf32, #tpu.memory_space<vmem>>, vector<1x16xf32>,
        %add3A_195 = arith.constant 600 : i32
        %add3A_196 = arith.addi %add3A_195, %scan3A_75 : i32
        %swap3A_197 = arith.index_cast %add3A_196 : i32 to index
        %swap3A_198 = arith.constant 48 : index
        %swap3A_199 = tpu.vector_load %arg8[%swap3A_197, %swap3A_198] {strides = array<i32>} : memref<800x64xf32, #tpu.memory_space<vmem>>, vector<1x16xf32>,
        %swap3A_200 = vector.shape_cast %swap3A_199 : vector<1x16xf32> to vector<16xf32>
        %swap3A_201 = vector.shape_cast %get3A_173 : vector<16xf32> to vector<1x16xf32>
        tpu.vector_store %arg8[%swap3A_197, %swap3A_198], %swap3A_201 {add = true, strides = array<i32>} : memref<800x64xf32, #tpu.memory_space<vmem>>, vector<1x16xf32>,
      }
      %scan3A_46 = arith.constant 200 : i32
      %dma_start3A_47 = arith.constant 0 : i32
      %dma_start3A_48 = tpu.memref_slice %arg5[%add3A_30, %dma_start3A_47] : memref<819200x64xf32, #tpu.memory_space<hbm>> -> memref<800x64xf32, #tpu.memory_space<hbm>>
      %dma_start3A_49 = arith.constant 0 : i32
      %dma_start3A_50 = tpu.memref_slice %arg5[%add3A_30, %dma_start3A_49] : memref<819200x64xf32, #tpu.memory_space<hbm>> -> memref<800x64xf32, #tpu.memory_space<hbm>>
      tpu.enqueue_dma source(%arg8 : memref<800x64xf32, #tpu.memory_space<vmem>>) target(%dma_start3A_50 : memref<800x64xf32, #tpu.memory_space<hbm>>) target_semaphore(%arg13 : memref<!tpu.dma_semaphore, #tpu.memory_space<semaphore_mem>>)
      %mul3A_51 = arith.constant 2 : i32
      %mul3A_52 = arith.muli %mul3A_51, %scan3A_23 : i32
      %add3A_53 = arith.constant 1 : i32
      %add3A_54 = arith.addi %mul3A_52, %add3A_53 : i32
      %mul3A_55 = arith.constant 800 : i32
      %mul3A_56 = arith.muli %add3A_54, %mul3A_55 : i32
      %add3A_57 = arith.addi %mul3A_4, %mul3A_56 : i32
      %lt3A = arith.constant 15 : i32
      %lt3A_58 = arith.cmpi slt, %scan3A_23, %lt3A : i32
      %convert_element_type3A_59 = arith.extui %lt3A_58 : i1 to i32
      %cond3A_60 = arith.constant 0 : i32
      %cond3A_61 = arith.cmpi ne, %convert_element_type3A_59, %cond3A_60 : i32
      scf.if %cond3A_61 {
        %add3A_75 = arith.constant 800 : i32
        %add3A_76 = arith.addi %add3A_57, %add3A_75 : i32
        "tpu.region"() ({
          %run_scoped3A = tpu.sem_alloc : memref<!tpu.dma_semaphore, #tpu.memory_space<semaphore_mem>>
          %dma_start3A_85 = tpu.memref_slice %arg2[%add3A_76] : memref<819200xi32, #tpu.memory_space<hbm>> -> memref<800xi32, #tpu.memory_space<hbm>>
          %dma_start3A_86 = tpu.memref_slice %arg2[%add3A_76] : memref<819200xi32, #tpu.memory_space<hbm>> -> memref<800xi32, #tpu.memory_space<hbm>>
          tpu.enqueue_dma source(%dma_start3A_86 : memref<800xi32, #tpu.memory_space<hbm>>) target(%arg6 : memref<800xi32, #tpu.memory_space<vmem>>) target_semaphore(%run_scoped3A : memref<!tpu.dma_semaphore, #tpu.memory_space<semaphore_mem>>)
          %dma_wait3A_87 = tpu.memref_slice %arg2[%add3A_76] : memref<819200xi32, #tpu.memory_space<hbm>> -> memref<800xi32, #tpu.memory_space<hbm>>
          %dma_wait3A_88 = tpu.memref_slice %arg2[%add3A_76] : memref<819200xi32, #tpu.memory_space<hbm>> -> memref<800xi32, #tpu.memory_space<hbm>>
          tpu.wait_dma2 semaphore(%run_scoped3A : memref<!tpu.dma_semaphore, #tpu.memory_space<semaphore_mem>>) src(%dma_wait3A_88 : memref<800xi32, #tpu.memory_space<hbm>>) dst(%arg6 : memref<800xi32, #tpu.memory_space<vmem>>)
          tpu.yield
        }) : () -> ()
        %sub3A = arith.constant 800 : i32
        %sub3A_77 = arith.subi %add3A_57, %sub3A : i32
        %dma_wait3A_78 = arith.constant 0 : i32
        %dma_wait3A_79 = tpu.memref_slice %arg5[%sub3A_77, %dma_wait3A_78] : memref<819200x64xf32, #tpu.memory_space<hbm>> -> memref<800x64xf32, #tpu.memory_space<hbm>>
        %dma_wait3A_80 = arith.constant 0 : i32
        %dma_wait3A_81 = tpu.memref_slice %arg5[%sub3A_77, %dma_wait3A_80] : memref<819200x64xf32, #tpu.memory_space<hbm>> -> memref<800x64xf32, #tpu.memory_space<hbm>>
        tpu.wait_dma2 semaphore(%arg13 : memref<!tpu.dma_semaphore, #tpu.memory_space<semaphore_mem>>) src(%arg8 : memref<800x64xf32, #tpu.memory_space<vmem>>) dst(%dma_wait3A_81 : memref<800x64xf32, #tpu.memory_space<hbm>>)
        %dma_start3A_82 = arith.constant 0 : i32
        %dma_start3A_83 = arith.constant 0 : i32
        %dma_start3A_84 = tpu.memref_slice %arg3[%dma_start3A_82, %dma_start3A_83] : memref<100000x64xf32, #tpu.memory_space<hbm>> -> memref<100000x64xf32, #tpu.memory_space<hbm>>
        tpu.enqueue_indirect_dma source(%dma_start3A_84 : memref<100000x64xf32, #tpu.memory_space<hbm>>) target(%arg8 : memref<800x64xf32, #tpu.memory_space<vmem>>) offsets(%arg6 : memref<800xi32, #tpu.memory_space<vmem>>) semaphore(%arg11 : memref<!tpu.dma_semaphore, #tpu.memory_space<semaphore_mem>>)
      } else {
      }
      %dma_wait3A_62 = arith.constant 0 : i32
      %dma_wait3A_63 = arith.constant 0 : i32
      %dma_wait3A_64 = tpu.memref_slice %arg3[%dma_wait3A_62, %dma_wait3A_63] : memref<100000x64xf32, #tpu.memory_space<hbm>> -> memref<100000x64xf32, #tpu.memory_space<hbm>>
      tpu.wait_indirect_dma semaphore(%arg12 : memref<!tpu.dma_semaphore, #tpu.memory_space<semaphore_mem>>) src(%dma_wait3A_64 : memref<100000x64xf32, #tpu.memory_space<hbm>>) dst(%arg9 : memref<800x64xf32, #tpu.memory_space<vmem>>)
      %scan3A_65 = arith.constant 0 : i32
      %scan3A_66 = arith.constant 0 : i32
      %scan3A_67 = arith.constant 200 : i32
      %scan3A_68 = arith.addi %scan3A_66, %scan3A_67 : i32
      %scan3A_69 = arith.constant 1 : i32
      scf.for %scan3A_75 = %scan3A_66 to %scan3A_68 step %scan3A_69  : i32 {
        %get3A = arith.index_cast %scan3A_75 : i32 to index
        %get3A_76 = arith.constant 0 : index
        %get3A_77 = tpu.vector_load %arg10[%get3A, %get3A_76] {strides = array<i32>} : memref<200x64xf32, #tpu.memory_space<vmem>>, vector<1x16xf32>,
        %get3A_78 = vector.shape_cast %get3A_77 : vector<1x16xf32> to vector<16xf32>
        %add3A_79 = arith.constant 0 : i32
        %add3A_80 = arith.addi %add3A_79, %scan3A_75 : i32
        %swap3A = arith.index_cast %add3A_80 : i32 to index
        %swap3A_81 = arith.constant 0 : index
        %swap3A_82 = tpu.vector_load %arg9[%swap3A, %swap3A_81] {strides = array<i32>} : memref<800x64xf32, #tpu.memory_space<vmem>>, vector<1x16xf32>,
        %swap3A_83 = vector.shape_cast %swap3A_82 : vector<1x16xf32> to vector<16xf32>
        %swap3A_84 = vector.shape_cast %get3A_78 : vector<16xf32> to vector<1x16xf32>
        tpu.vector_store %arg9[%swap3A, %swap3A_81], %swap3A_84 {add = true, strides = array<i32>} : memref<800x64xf32, #tpu.memory_space<vmem>>, vector<1x16xf32>,
        %add3A_85 = arith.constant 200 : i32
        %add3A_86 = arith.addi %add3A_85, %scan3A_75 : i32
        %swap3A_87 = arith.index_cast %add3A_86 : i32 to index
        %swap3A_88 = arith.constant 0 : index
        %swap3A_89 = tpu.vector_load %arg9[%swap3A_87, %swap3A_88] {strides = array<i32>} : memref<800x64xf32, #tpu.memory_space<vmem>>, vector<1x16xf32>,
        %swap3A_90 = vector.shape_cast %swap3A_89 : vector<1x16xf32> to vector<16xf32>
        %swap3A_91 = vector.shape_cast %get3A_78 : vector<16xf32> to vector<1x16xf32>
        tpu.vector_store %arg9[%swap3A_87, %swap3A_88], %swap3A_91 {add = true, strides = array<i32>} : memref<800x64xf32, #tpu.memory_space<vmem>>, vector<1x16xf32>,
        %add3A_92 = arith.constant 400 : i32
        %add3A_93 = arith.addi %add3A_92, %scan3A_75 : i32
        %swap3A_94 = arith.index_cast %add3A_93 : i32 to index
        %swap3A_95 = arith.constant 0 : index
        %swap3A_96 = tpu.vector_load %arg9[%swap3A_94, %swap3A_95] {strides = array<i32>} : memref<800x64xf32, #tpu.memory_space<vmem>>, vector<1x16xf32>,
        %swap3A_97 = vector.shape_cast %swap3A_96 : vector<1x16xf32> to vector<16xf32>
        %swap3A_98 = vector.shape_cast %get3A_78 : vector<16xf32> to vector<1x16xf32>
        tpu.vector_store %arg9[%swap3A_94, %swap3A_95], %swap3A_98 {add = true, strides = array<i32>} : memref<800x64xf32, #tpu.memory_space<vmem>>, vector<1x16xf32>,
        %add3A_99 = arith.constant 600 : i32
        %add3A_100 = arith.addi %add3A_99, %scan3A_75 : i32
        %swap3A_101 = arith.index_cast %add3A_100 : i32 to index
        %swap3A_102 = arith.constant 0 : index
        %swap3A_103 = tpu.vector_load %arg9[%swap3A_101, %swap3A_102] {strides = array<i32>} : memref<800x64xf32, #tpu.memory_space<vmem>>, vector<1x16xf32>,
        %swap3A_104 = vector.shape_cast %swap3A_103 : vector<1x16xf32> to vector<16xf32>
        %swap3A_105 = vector.shape_cast %get3A_78 : vector<16xf32> to vector<1x16xf32>
        tpu.vector_store %arg9[%swap3A_101, %swap3A_102], %swap3A_105 {add = true, strides = array<i32>} : memref<800x64xf32, #tpu.memory_space<vmem>>, vector<1x16xf32>,
        %get3A_106 = arith.index_cast %scan3A_75 : i32 to index
        %get3A_107 = arith.constant 16 : index
        %get3A_108 = tpu.vector_load %arg10[%get3A_106, %get3A_107] {strides = array<i32>} : memref<200x64xf32, #tpu.memory_space<vmem>>, vector<1x16xf32>,
        %get3A_109 = vector.shape_cast %get3A_108 : vector<1x16xf32> to vector<16xf32>
        %add3A_110 = arith.constant 0 : i32
        %add3A_111 = arith.addi %add3A_110, %scan3A_75 : i32
        %swap3A_112 = arith.index_cast %add3A_111 : i32 to index
        %swap3A_113 = arith.constant 16 : index
        %swap3A_114 = tpu.vector_load %arg9[%swap3A_112, %swap3A_113] {strides = array<i32>} : memref<800x64xf32, #tpu.memory_space<vmem>>, vector<1x16xf32>,
        %swap3A_115 = vector.shape_cast %swap3A_114 : vector<1x16xf32> to vector<16xf32>
        %swap3A_116 = vector.shape_cast %get3A_109 : vector<16xf32> to vector<1x16xf32>
        tpu.vector_store %arg9[%swap3A_112, %swap3A_113], %swap3A_116 {add = true, strides = array<i32>} : memref<800x64xf32, #tpu.memory_space<vmem>>, vector<1x16xf32>,
        %add3A_117 = arith.constant 200 : i32
        %add3A_118 = arith.addi %add3A_117, %scan3A_75 : i32
        %swap3A_119 = arith.index_cast %add3A_118 : i32 to index
        %swap3A_120 = arith.constant 16 : index
        %swap3A_121 = tpu.vector_load %arg9[%swap3A_119, %swap3A_120] {strides = array<i32>} : memref<800x64xf32, #tpu.memory_space<vmem>>, vector<1x16xf32>,
        %swap3A_122 = vector.shape_cast %swap3A_121 : vector<1x16xf32> to vector<16xf32>
        %swap3A_123 = vector.shape_cast %get3A_109 : vector<16xf32> to vector<1x16xf32>
        tpu.vector_store %arg9[%swap3A_119, %swap3A_120], %swap3A_123 {add = true, strides = array<i32>} : memref<800x64xf32, #tpu.memory_space<vmem>>, vector<1x16xf32>,
        %add3A_124 = arith.constant 400 : i32
        %add3A_125 = arith.addi %add3A_124, %scan3A_75 : i32
        %swap3A_126 = arith.index_cast %add3A_125 : i32 to index
        %swap3A_127 = arith.constant 16 : index
        %swap3A_128 = tpu.vector_load %arg9[%swap3A_126, %swap3A_127] {strides = array<i32>} : memref<800x64xf32, #tpu.memory_space<vmem>>, vector<1x16xf32>,
        %swap3A_129 = vector.shape_cast %swap3A_128 : vector<1x16xf32> to vector<16xf32>
        %swap3A_130 = vector.shape_cast %get3A_109 : vector<16xf32> to vector<1x16xf32>
        tpu.vector_store %arg9[%swap3A_126, %swap3A_127], %swap3A_130 {add = true, strides = array<i32>} : memref<800x64xf32, #tpu.memory_space<vmem>>, vector<1x16xf32>,
        %add3A_131 = arith.constant 600 : i32
        %add3A_132 = arith.addi %add3A_131, %scan3A_75 : i32
        %swap3A_133 = arith.index_cast %add3A_132 : i32 to index
        %swap3A_134 = arith.constant 16 : index
        %swap3A_135 = tpu.vector_load %arg9[%swap3A_133, %swap3A_134] {strides = array<i32>} : memref<800x64xf32, #tpu.memory_space<vmem>>, vector<1x16xf32>,
        %swap3A_136 = vector.shape_cast %swap3A_135 : vector<1x16xf32> to vector<16xf32>
        %swap3A_137 = vector.shape_cast %get3A_109 : vector<16xf32> to vector<1x16xf32>
        tpu.vector_store %arg9[%swap3A_133, %swap3A_134], %swap3A_137 {add = true, strides = array<i32>} : memref<800x64xf32, #tpu.memory_space<vmem>>, vector<1x16xf32>,
        %get3A_138 = arith.index_cast %scan3A_75 : i32 to index
        %get3A_139 = arith.constant 32 : index
        %get3A_140 = tpu.vector_load %arg10[%get3A_138, %get3A_139] {strides = array<i32>} : memref<200x64xf32, #tpu.memory_space<vmem>>, vector<1x16xf32>,
        %get3A_141 = vector.shape_cast %get3A_140 : vector<1x16xf32> to vector<16xf32>
        %add3A_142 = arith.constant 0 : i32
        %add3A_143 = arith.addi %add3A_142, %scan3A_75 : i32
        %swap3A_144 = arith.index_cast %add3A_143 : i32 to index
        %swap3A_145 = arith.constant 32 : index
        %swap3A_146 = tpu.vector_load %arg9[%swap3A_144, %swap3A_145] {strides = array<i32>} : memref<800x64xf32, #tpu.memory_space<vmem>>, vector<1x16xf32>,
        %swap3A_147 = vector.shape_cast %swap3A_146 : vector<1x16xf32> to vector<16xf32>
        %swap3A_148 = vector.shape_cast %get3A_141 : vector<16xf32> to vector<1x16xf32>
        tpu.vector_store %arg9[%swap3A_144, %swap3A_145], %swap3A_148 {add = true, strides = array<i32>} : memref<800x64xf32, #tpu.memory_space<vmem>>, vector<1x16xf32>,
        %add3A_149 = arith.constant 200 : i32
        %add3A_150 = arith.addi %add3A_149, %scan3A_75 : i32
        %swap3A_151 = arith.index_cast %add3A_150 : i32 to index
        %swap3A_152 = arith.constant 32 : index
        %swap3A_153 = tpu.vector_load %arg9[%swap3A_151, %swap3A_152] {strides = array<i32>} : memref<800x64xf32, #tpu.memory_space<vmem>>, vector<1x16xf32>,
        %swap3A_154 = vector.shape_cast %swap3A_153 : vector<1x16xf32> to vector<16xf32>
        %swap3A_155 = vector.shape_cast %get3A_141 : vector<16xf32> to vector<1x16xf32>
        tpu.vector_store %arg9[%swap3A_151, %swap3A_152], %swap3A_155 {add = true, strides = array<i32>} : memref<800x64xf32, #tpu.memory_space<vmem>>, vector<1x16xf32>,
        %add3A_156 = arith.constant 400 : i32
        %add3A_157 = arith.addi %add3A_156, %scan3A_75 : i32
        %swap3A_158 = arith.index_cast %add3A_157 : i32 to index
        %swap3A_159 = arith.constant 32 : index
        %swap3A_160 = tpu.vector_load %arg9[%swap3A_158, %swap3A_159] {strides = array<i32>} : memref<800x64xf32, #tpu.memory_space<vmem>>, vector<1x16xf32>,
        %swap3A_161 = vector.shape_cast %swap3A_160 : vector<1x16xf32> to vector<16xf32>
        %swap3A_162 = vector.shape_cast %get3A_141 : vector<16xf32> to vector<1x16xf32>
        tpu.vector_store %arg9[%swap3A_158, %swap3A_159], %swap3A_162 {add = true, strides = array<i32>} : memref<800x64xf32, #tpu.memory_space<vmem>>, vector<1x16xf32>,
        %add3A_163 = arith.constant 600 : i32
        %add3A_164 = arith.addi %add3A_163, %scan3A_75 : i32
        %swap3A_165 = arith.index_cast %add3A_164 : i32 to index
        %swap3A_166 = arith.constant 32 : index
        %swap3A_167 = tpu.vector_load %arg9[%swap3A_165, %swap3A_166] {strides = array<i32>} : memref<800x64xf32, #tpu.memory_space<vmem>>, vector<1x16xf32>,
        %swap3A_168 = vector.shape_cast %swap3A_167 : vector<1x16xf32> to vector<16xf32>
        %swap3A_169 = vector.shape_cast %get3A_141 : vector<16xf32> to vector<1x16xf32>
        tpu.vector_store %arg9[%swap3A_165, %swap3A_166], %swap3A_169 {add = true, strides = array<i32>} : memref<800x64xf32, #tpu.memory_space<vmem>>, vector<1x16xf32>,
        %get3A_170 = arith.index_cast %scan3A_75 : i32 to index
        %get3A_171 = arith.constant 48 : index
        %get3A_172 = tpu.vector_load %arg10[%get3A_170, %get3A_171] {strides = array<i32>} : memref<200x64xf32, #tpu.memory_space<vmem>>, vector<1x16xf32>,
        %get3A_173 = vector.shape_cast %get3A_172 : vector<1x16xf32> to vector<16xf32>
        %add3A_174 = arith.constant 0 : i32
        %add3A_175 = arith.addi %add3A_174, %scan3A_75 : i32
        %swap3A_176 = arith.index_cast %add3A_175 : i32 to index
        %swap3A_177 = arith.constant 48 : index
        %swap3A_178 = tpu.vector_load %arg9[%swap3A_176, %swap3A_177] {strides = array<i32>} : memref<800x64xf32, #tpu.memory_space<vmem>>, vector<1x16xf32>,
        %swap3A_179 = vector.shape_cast %swap3A_178 : vector<1x16xf32> to vector<16xf32>
        %swap3A_180 = vector.shape_cast %get3A_173 : vector<16xf32> to vector<1x16xf32>
        tpu.vector_store %arg9[%swap3A_176, %swap3A_177], %swap3A_180 {add = true, strides = array<i32>} : memref<800x64xf32, #tpu.memory_space<vmem>>, vector<1x16xf32>,
        %add3A_181 = arith.constant 200 : i32
        %add3A_182 = arith.addi %add3A_181, %scan3A_75 : i32
        %swap3A_183 = arith.index_cast %add3A_182 : i32 to index
        %swap3A_184 = arith.constant 48 : index
        %swap3A_185 = tpu.vector_load %arg9[%swap3A_183, %swap3A_184] {strides = array<i32>} : memref<800x64xf32, #tpu.memory_space<vmem>>, vector<1x16xf32>,
        %swap3A_186 = vector.shape_cast %swap3A_185 : vector<1x16xf32> to vector<16xf32>
        %swap3A_187 = vector.shape_cast %get3A_173 : vector<16xf32> to vector<1x16xf32>
        tpu.vector_store %arg9[%swap3A_183, %swap3A_184], %swap3A_187 {add = true, strides = array<i32>} : memref<800x64xf32, #tpu.memory_space<vmem>>, vector<1x16xf32>,
        %add3A_188 = arith.constant 400 : i32
        %add3A_189 = arith.addi %add3A_188, %scan3A_75 : i32
        %swap3A_190 = arith.index_cast %add3A_189 : i32 to index
        %swap3A_191 = arith.constant 48 : index
        %swap3A_192 = tpu.vector_load %arg9[%swap3A_190, %swap3A_191] {strides = array<i32>} : memref<800x64xf32, #tpu.memory_space<vmem>>, vector<1x16xf32>,
        %swap3A_193 = vector.shape_cast %swap3A_192 : vector<1x16xf32> to vector<16xf32>
        %swap3A_194 = vector.shape_cast %get3A_173 : vector<16xf32> to vector<1x16xf32>
        tpu.vector_store %arg9[%swap3A_190, %swap3A_191], %swap3A_194 {add = true, strides = array<i32>} : memref<800x64xf32, #tpu.memory_space<vmem>>, vector<1x16xf32>,
        %add3A_195 = arith.constant 600 : i32
        %add3A_196 = arith.addi %add3A_195, %scan3A_75 : i32
        %swap3A_197 = arith.index_cast %add3A_196 : i32 to index
        %swap3A_198 = arith.constant 48 : index
        %swap3A_199 = tpu.vector_load %arg9[%swap3A_197, %swap3A_198] {strides = array<i32>} : memref<800x64xf32, #tpu.memory_space<vmem>>, vector<1x16xf32>,
        %swap3A_200 = vector.shape_cast %swap3A_199 : vector<1x16xf32> to vector<16xf32>
        %swap3A_201 = vector.shape_cast %get3A_173 : vector<16xf32> to vector<1x16xf32>
        tpu.vector_store %arg9[%swap3A_197, %swap3A_198], %swap3A_201 {add = true, strides = array<i32>} : memref<800x64xf32, #tpu.memory_space<vmem>>, vector<1x16xf32>,
      }
      %scan3A_70 = arith.constant 200 : i32
      %dma_start3A_71 = arith.constant 0 : i32
      %dma_start3A_72 = tpu.memref_slice %arg5[%add3A_57, %dma_start3A_71] : memref<819200x64xf32, #tpu.memory_space<hbm>> -> memref<800x64xf32, #tpu.memory_space<hbm>>
      %dma_start3A_73 = arith.constant 0 : i32
      %dma_start3A_74 = tpu.memref_slice %arg5[%add3A_57, %dma_start3A_73] : memref<819200x64xf32, #tpu.memory_space<hbm>> -> memref<800x64xf32, #tpu.memory_space<hbm>>
      tpu.enqueue_dma source(%arg9 : memref<800x64xf32, #tpu.memory_space<vmem>>) target(%dma_start3A_74 : memref<800x64xf32, #tpu.memory_space<hbm>>) target_semaphore(%arg14 : memref<!tpu.dma_semaphore, #tpu.memory_space<semaphore_mem>>)
    }
    %scan3A_11 = arith.constant 16 : i32
    %add3A_12 = arith.constant 24000 : i32
    %add3A_13 = arith.addi %mul3A_4, %add3A_12 : i32
    %dma_wait3A = arith.constant 0 : i32
    %dma_wait3A_14 = tpu.memref_slice %arg5[%add3A_13, %dma_wait3A] : memref<819200x64xf32, #tpu.memory_space<hbm>> -> memref<800x64xf32, #tpu.memory_space<hbm>>
    %dma_wait3A_15 = arith.constant 0 : i32
    %dma_wait3A_16 = tpu.memref_slice %arg5[%add3A_13, %dma_wait3A_15] : memref<819200x64xf32, #tpu.memory_space<hbm>> -> memref<800x64xf32, #tpu.memory_space<hbm>>
    tpu.wait_dma2 semaphore(%arg13 : memref<!tpu.dma_semaphore, #tpu.memory_space<semaphore_mem>>) src(%arg8 : memref<800x64xf32, #tpu.memory_space<vmem>>) dst(%dma_wait3A_16 : memref<800x64xf32, #tpu.memory_space<hbm>>)
    %add3A_17 = arith.constant 24800 : i32
    %add3A_18 = arith.addi %mul3A_4, %add3A_17 : i32
    %dma_wait3A_19 = arith.constant 0 : i32
    %dma_wait3A_20 = tpu.memref_slice %arg5[%add3A_18, %dma_wait3A_19] : memref<819200x64xf32, #tpu.memory_space<hbm>> -> memref<800x64xf32, #tpu.memory_space<hbm>>
    %dma_wait3A_21 = arith.constant 0 : i32
    %dma_wait3A_22 = tpu.memref_slice %arg5[%add3A_18, %dma_wait3A_21] : memref<819200x64xf32, #tpu.memory_space<hbm>> -> memref<800x64xf32, #tpu.memory_space<hbm>>
    tpu.wait_dma2 semaphore(%arg14 : memref<!tpu.dma_semaphore, #tpu.memory_space<semaphore_mem>>) src(%arg9 : memref<800x64xf32, #tpu.memory_space<vmem>>) dst(%dma_wait3A_22 : memref<800x64xf32, #tpu.memory_space<hbm>>)
    return
  }
}

</mosaic_0001>

<sc_bundles>
// kernel: kernel.3.cloned.1.call-start
scs
__scs_entry_jumppad:
0x0: {  	(pc) =	sbr.rel $0x88, $3  }
0x1: {  	(tag) =	ssettag $0x0;
	lr =	simm.s32 $0x1  }
0x2: {  	[smem:$0x3F9E] =	sst lr;
	_ =	strace $0xD0000000  }
0x3: {  	_ = 	snop  }
0x4: {  	_ = 	snop  }
0x5: {  	_ = 	snop  }
0x6: {  	_ = 	snop  }
0x7: {  	_ = 	snop  }
__scs_overlays_trampoline_lowered:
0x8: {  	[smem:$0x3FAD] =	sst s0  }
0x9: {  	[smem:$0x3FAE] =	sst s1  }
0xa: {  	[smem:$0x3FAF] =	sst s2  }
0xb: {  	[smem:$0x3FB0] =	sst s3  }
0xc: {  	[smem:$0x3FB1] =	sst s4  }
0xd: {  	[smem:$0x3FB2] =	sst s5  }
0xe: {  	[smem:$0x3FB3] =	sst s6  }
0xf: {  	[smem:$0x3FB4] =	sst s7  }
0x10: {  	[smem:$0x3FB5] =	sst s8  }
0x11: {  	[smem:$0x3FB6] =	sst s9;
	s0 =	simm.s32 @!p0 $0x0  }
0x12: {  	s1 =	sld [smem:$0x3F9C];
	s0 =	simm.s32 @p0 $0x1  }
0x13: {  	[smem:$0x3FB7] =	sst s0;
	s0 =	simm.s32 @!p1 $0x0  }
0x14: {  	s2 =	sld [smem:$0x3F9B];
	s0 =	simm.s32 @p1 $0x1  }
0x15: {  	[smem:$0x3FB8] =	sst s0;
	s0 =	simm.s32 @!p2 $0x0  }
0x16: {  	s3 =	sld [smem:$0x3FDB];
	s0 =	simm.s32 @p2 $0x1  }
0x17: {  	s4 =	simm.s32 $0x1BF5;
	[smem:$0x3FBA] =	sst s0  }
0x18: {  	s0 =	sld [smem:$0x3F9D];
	_ =	swait.ge [sflag:s4], $0x0  }
0x19: {  	s7 =	sld [smem:$0x3F9E]  }
0x1a: {  	s8 =	sadd.s32 $0xFFFFE003, lr  }
0x1b: {  	s9 =	sadd.s32 $0xFFFFFEF7, lr;
	s5 =	simm.s32 $0xFFFFFFFF;
	p2 =	slt.u32 s8, $0xFFFFF086  }
0x1c: {  	p1 =	slt.u32 s9, $0xF7A;
	s5 =	simm.s32 @!p2 $0x0  }
0x1d: {  	s5 =	simm.s32 @p1 $0x1;
	p0 =	seq.s32 s7, s2  }
0x1e: {  	s7 =	smul.u32 @!p0 $0xF7A, s2;
	p2 =	seq.s32 @!p0 s5, $0x0  }
0x1f: {  	s9 =	smul.u32 $0xF7A, s1;
	s8 =	simm.s32 @!p0 $0x1BF5;
	p2 =	por !p2, p0  }
0x20: {  	[sflag:s8] =	ssyncset.s32 @!p0 $0xFFFFF086;
	s6 =	sadd.s32 @!p0 s3, s7;
	s7 =	simm.s32 @!p0 $0x108  }
0x21: {  	s3 =	sadd.s32 s3, s9;
	s6 =	sadd.s32 @!p0 $0x88, s6;
	s7 =	simm.s32 @p2 $0x1082  }
0x22: {  	[simem:s7], [sflag:s8] =	dma.local @!p0 [hbm:s6], $0xF7A  }
0x23: {  	s9 =	sor.u32 $0xD0000000, s2;
	s6 =	simm.s32 $0x108;
	_ =	swait.ge @!p0 [sflag:s8], $0x0  }
0x24: {  	s3 =	sadd.s32 $0x88, s3;
	s6 =	simm.s32 @!p1 $0x1082;
	[sflag:s4] =	ssyncset.s32 $0xFFFFF086  }
0x25: {  	[simem:s6], [sflag:s4] =	dma.local [hbm:s3], $0xF7A  }
0x26: {  	[smem:$0x3F9E] =	sst s1;
	(tag) =	ssettag s2;
	_ =	strace s9  }
0x27: {  	s1 =	sld [smem:$0x3FAE]  }
0x28: {  	s2 =	sld [smem:$0x3FAF]  }
0x29: {  	s4 =	sld [smem:$0x3FB1]  }
0x2a: {  	p0 =	seq.s32 s5, $0x0;
	s5 =	sld [smem:$0x3FB2]  }
0x2b: {  	s6 =	sld [smem:$0x3FB3]  }
0x2c: {  	s7 =	sld [smem:$0x3FB4]  }
0x2d: {  	s3 =	simm.s32 $0x108;
	s8 =	sld [smem:$0x3FB5]  }
0x2e: {  	s3 =	simm.s32 @!p0 $0x1082;
	s9 =	sld [smem:$0x3FB6]  }
0x2f: {  	lr =	sadd.s32 s0, s3;
	s0 =	sld [smem:$0x3FAD]  }
0x30: {  	s3 =	sld [smem:$0x3FB0]  }
0x31: {  	[smem:$0x3FB9] =	sst s10  }
0x32: {  	s10 =	sld [smem:$0x3FB7];
	_ =	sdelay $0x3  }
0x33: {  	p0 =	seq.s32 s10, $0x1;
	s10 =	sld [smem:$0x3FB9];
	_ =	sdelay $0x3  }
0x34: {  	[smem:$0x3FB9] =	sst s10  }
0x35: {  	s10 =	sld [smem:$0x3FB8];
	_ =	sdelay $0x3  }
0x36: {  	p1 =	seq.s32 s10, $0x1;
	s10 =	sld [smem:$0x3FB9];
	_ =	sdelay $0x3  }
0x37: {  	[smem:$0x3FB9] =	sst s10  }
0x38: {  	s10 =	sld [smem:$0x3FBA]  }
0x39: {  	_ = 	snop;
	(pc) =	sbr.ind lr, $3  }
0x3a: {  	_ = 	snop  }
0x3b: {  	_ = 	snop  }
0x3c: {  	p2 =	seq.s32 s10, $0x1;
	s10 =	sld [smem:$0x3FB9]  }
0x3d: {  	_ =	shalt  }
0x3e: {  	_ =	shalt  }
0x3f: {  	_ =	shalt  }
0x40: {  	_ =	shalt  }
0x41: {  	_ =	shalt  }
0x42: {  	_ =	shalt  }
0x43: {  	_ =	shalt  }
0x44: {  	_ =	shalt  }
0x45: {  	_ =	shalt  }
0x46: {  	_ =	shalt  }
0x47: {  	_ =	shalt  }
0x48: {  	_ =	shalt  }
0x49: {  	_ =	shalt  }
0x4a: {  	_ =	shalt  }
0x4b: {  	_ =	shalt  }
0x4c: {  	_ =	shalt  }
0x4d: {  	_ =	shalt  }
0x4e: {  	_ =	shalt  }
0x4f: {  	_ =	shalt  }
0x50: {  	_ =	shalt  }
0x51: {  	_ =	shalt  }
0x52: {  	_ =	shalt  }
0x53: {  	_ =	shalt  }
0x54: {  	_ =	shalt  }
0x55: {  	_ =	shalt  }
0x56: {  	_ =	shalt  }
0x57: {  	_ =	shalt  }
0x58: {  	_ =	shalt  }
0x59: {  	_ =	shalt  }
0x5a: {  	_ =	shalt  }
0x5b: {  	_ =	shalt  }
0x5c: {  	_ =	shalt  }
0x5d: {  	_ =	shalt  }
0x5e: {  	_ =	shalt  }
0x5f: {  	_ =	shalt  }
0x60: {  	_ =	shalt  }
0x61: {  	_ =	shalt  }
0x62: {  	_ =	shalt  }
0x63: {  	_ =	shalt  }
0x64: {  	_ =	shalt  }
0x65: {  	_ =	shalt  }
0x66: {  	_ =	shalt  }
0x67: {  	_ =	shalt  }
0x68: {  	_ =	shalt  }
0x69: {  	_ =	shalt  }
0x6a: {  	_ =	shalt  }
0x6b: {  	_ =	shalt  }
0x6c: {  	_ =	shalt  }
0x6d: {  	_ =	shalt  }
0x6e: {  	_ =	shalt  }
0x6f: {  	_ =	shalt  }
0x70: {  	_ =	shalt  }
0x71: {  	_ =	shalt  }
0x72: {  	_ =	shalt  }
0x73: {  	_ =	shalt  }
0x74: {  	_ =	shalt  }
0x75: {  	_ =	shalt  }
0x76: {  	_ =	shalt  }
0x77: {  	_ =	shalt  }
0x78: {  	_ =	shalt  }
0x79: {  	_ =	shalt  }
0x7a: {  	_ =	shalt  }
0x7b: {  	_ =	shalt  }
0x7c: {  	_ =	shalt  }
0x7d: {  	_ =	shalt  }
0x7e: {  	_ =	shalt  }
0x7f: {  	_ =	shalt  }
0x80: {  	_ =	shalt  }
0x81: {  	_ =	shalt  }
0x82: {  	_ =	shalt  }
0x83: {  	_ =	shalt  }
0x84: {  	_ =	shalt  }
0x85: {  	_ =	shalt  }
0x86: {  	_ =	shalt  }
0x87: {  	_ =	shalt  }
.Lfunc_end0:
.L_simem_size_0:
called_computation.1_lowered:
.L_overlay_start_0:
0x88: {  	s2 =	sld [smem:$0x3FD9]  }
0x89: {  	s3 =	sld [smem:$0x3FFE];
	_ =	sdelay $0x1  }
0x8a: {  	s1 =	srdreg.scid  }
0x8b: {  	s0 =	sand.u32 $0x1, s1  }
0x8c: {  	s17 =	sshll.u32 s0, $0xA;
	s2 =	sadd.s32 s3, s2  }
0x8d: {  	s2 =	sadd.s32 s2, s17  }
0x8e: {  	[smem:$0x3FC5] =	sst s2  }
0x8f: {  	_ = 	snop  }
0x90: {  	s2 =	sld [smem:$0x3FD0];
	(tm) =	ssettm $0x1  }
0x91: {  	s18 =	sld [smem:$0x3FFB];
	_ =	sdelay $0x3  }
0x92: {  	_ =	strace s18  }
0x93: {  	s3 =	sld [smem:$0x3FFC];
	_ =	sdelay $0x3  }
0x94: {  	_ =	strace s3  }
0x95: {  	s3 =	sld [smem:$0x3FFD];
	_ =	sdelay $0x3  }
0x96: {  	_ =	strace s3  }
0x97: {  	_ =	strace $0x8FFFFFFF  }
0x98: {  	s19 =	sld [smem:$0x3FDB];
	_ =	sdelay $0x1  }
0x99: {  	s4 =	simm.s32 $_scs_section_size  }
0x9a: {  	s5 =	simm.s32 $_size__tile_overlayer_lowered;
	s6 =	simm.s32 $_tile_overlayer_lowered  }
0x9b: {  	s22 =	simm.s32 $0x1BFF;
	s21 =	sshll.u32 s6, $0x1;
	s3 =	sadd.s32 s4, s19  }
0x9c: {  	s7 =	simm.s32 $0x0;
	s20 =	sshll.u32 s5, $0x1;
	s5 =	sadd.s32 s21, s3  }
0x9d: {  	[timem:s7], [sflag:s22] =	dma.local [hbm:s5], s20  }
0x9e: {  	_ =	swait.ge [sflag:s22], s20  }
0x9f: {  	s4 =	ssub.s32 $0x0, s20;
	[sflag:s22] =	ssyncset.done $0x0  }
0xa0: {  	[sflag:s22] =	ssyncadd.s32 s4;
	_ =	sdelay $0x1  }
0xa1: {  	s23 =	simm.s32 $0x1B8B  }
0xa2: {  	_ =	swait.ge [sflag:s23], $0x1  }
0xa3: {  	[sflag:s23] =	ssyncset.done $0x0  }
0xa4: {  	s25 =	simm.s32 $0x1B8E;
	s24 =	sld [smem:$0x3FFE];
	[sflag:s23] =	ssyncadd.s32 $0xFFFFFFFF  }
0xa5: {  	s26 =	simm.s32 $execute0_lowered;
	[smem:$0x3FD2] =	sst s25  }
0xa6: {  	s5 =	sshll.u32 s26, $0x1;
	_ =	strace $0x80000046;
	[dreg:$0x1] =	wrdreg $0xFFFFFFFF  }
0xa7: {  	s28 =	simm.s32 $_size_execute0_lowered;
	s3 =	sadd.s32 s3, s5;
	[dreg:$0x0] =	wrdreg $0x0  }
0xa8: {  	s5 =	sshll.u32 s28, $0x1;
	[dreg:$0x2] =	wrdreg s3  }
0xa9: {  	[dreg:$0x3] =	wrdreg s5  }
0xaa: {  	[dreg:$0x4] =	wrdreg $0xC0  }
0xab: {  	_ =	task [dreg:s7], $0x5FFFF  }
0xac: {  	[dreg:$0x1] =	wrdreg $0xFFFFFFFF  }
0xad: {  	[dreg:$0x0] =	wrdreg $0x60  }
0xae: {  	[dreg:$0x2] =	wrdreg s24  }
0xaf: {  	[dreg:$0x3] =	wrdreg s2  }
0xb0: {  	[dreg:$0x4] =	wrdreg $0x9  }
0xb1: {  	_ =	task.clear_ibuf [dreg:s7], $0x5FFFF;
	_ =	strace $0x90000046  }
0xb2: {  	s29 =	simm.s32 $0x9;
	_ =	strace $0x80000048  }
0xb3: {  	_ =	swait.ge [sflag:s29], $0x1  }
0xb4: {  	[sflag:s29] =	ssyncadd.s32 $0xFFFFFFFF  }
0xb5: {  	_ =	strace $0x90000048  }
0xb6: {  	_ =	sfence  }
0xb7: {  	s30 =	sld [smem:$0x0];
	_ =	sdelay $0x2  }
0xb8: {  	s31 =	sshll.u32 s1, $0xD;
	s1 =	sshrl.u32 s1, $0x2  }
0xb9: {  	s3 =	sand.u32 $0x4000, s31;
	s1 =	sadd.s32 s1, s30  }
0xba: {  	s0 =	sor.u32 s3, s0;
	s1 =	sshll.u32 s1, $0x11  }
0xbb: {  	s0 =	sor.u32 s1, s0  }
0xbc: {  	s0 =	sadd.s32 $0x8F2B, s0  }
0xbd: {  	[sflag:s0] =	ssyncadd.remote.s32 $0x1  }
0xbe: {  	_ =	sfence.sel $0xFFFF  }
0xbf: {  	[dreg:$0x0] =	wrdreg $0xFFFFFFFF;
	(pc) =	sbr.abs _section_cstart, $3  }
0xc0: {  	[dreg:$0x1] =	wrdreg $0xFFFFFFFF  }
0xc1: {  	_ =	task.clear_ibuf [dreg:s7], $0x2FFFF;
	_ =	strace $0x9FFFFFFF  }
0xc2: {  	(tm) =	ssettm $0x7FFFFFFF  }
0xc3: {  	_ =	shalt  }
tec
execute0_lowered:
.L_overlay_start_1:
0x0: {  	(tag) =	ssettag $0x1  }
0x1: {  	s7 =	rddreg [dreg:$0x0];
	s1 =	srdreg.scid  }
0x2: {  	s0 =	stileid.u32;
	s2 =	rddreg [dreg:$0x1];
	s3 =	simm.s32 $0x0  }
0x3: {  	s12 =	simm.s32 $0x5;
	s13 =	simm.s32 $0x320;
	s14 =	simm.s32 $0x640  }
0x4: {  	s15 =	simm.s32 $0xCE40;
	s16 =	simm.s32 $0x1;
	s17 =	simm.s32 $0x2  }
0x5: {  	s18 =	simm.s32 $0x3;
	s19 =	simm.s32 $0x4;
	s20 =	simm.s32 $0x0  }
0x6: {  	s6 =	sand.u32 $0x1, s1;
	s4 =	sshll.u32 s0, $0x1;
	s1 =	rddreg [dreg:$0x2]  }
0x7: {  	[smem:$0x7FF] =	sst s3;
	s5 =	sadd.s32 $0x1000, s7;
	s4 =	sor.u32 s6, s4  }
0x8: {  	_ =	strace $0x80000047;
	s8 =	ssub.s32 $0x2, s6;
	s4 =	smul.u32 $0x6400, s4  }
0x9: {  	s6 =	sadd.s32 $0x1A000, s7;
	s7 =	sadd.s32 $0x800, s7;
	s9 =	sshrl.u32 s8, $0x1  }
0xa: {  	s11 =	ssub.s32 s8, s9;
	s10 =	sshrl.u32 s4, $0x3;
	s9 =	sor.u32 $0x320, s4  }
0xb: {  	s8 =	sadd.s32 s5, s10;
	s10 =	smax.u32 s11, $0x1;
	s11 =	simm.s32 $0x19640  }
.LBB2_1:
0xc: {  	[tilespmem:s11], [sflag:$0x5] =	stream.linear.gather [hbm4b:s7+s3], $0x3200, $0x38;
	[tilespmem:$0x1C840] =	vst v63  }
0xd: {  	_ =	swait.ge [sflag:s12], $0x3200  }
0xe: {  	[sflag:s12] =	ssyncset.done $0x0  }
0xf: {  	[sflag:s12] =	ssyncadd.s32 $0xFFFFCE00  }
0x10: {  	[tilespmem:s3], [sflag:$0x5] =	stream.linear.gather [hbm4b:s8+s3], $0x320, $0x38;
	[tilespmem:$0x1C840] =	vst v63  }
0x11: {  	_ =	swait.ge [sflag:s12], $0x320  }
0x12: {  	[sflag:s12] =	ssyncset.done $0x0  }
0x13: {  	s21 =	simm.s32 $0x0;
	[sflag:s12] =	ssyncadd.s32 $0xFFFFFCE0  }
0x14: {  	[tilespmem:s14], [sflag:$0x1] =	stream.indirect.gather [hbm4b:s6+s13], $0x40, s3, s13, $0xb8;
	[tilespmem:$0x1C840] =	vst v63  }
.LBB2_2:
0x15: {  	s22 =	smul.u32 $0x640, s21;
	_ =	sdelay $0x1  }
0x16: {  	s23 =	sadd.s32 s4, s22  }
0x17: {  	s24 =	sshrl.u32 s23, $0x3  }
0x18: {  	s24 =	sadd.s32 s5, s24  }
0x19: {  	s24 =	sadd.s32 $0x64, s24  }
0x1a: {  	[tilespmem:s13], [sflag:$0x5] =	stream.linear.gather [hbm4b:s24+s3], $0x320, $0x38;
	[tilespmem:$0x1C840] =	vst v63  }
0x1b: {  	_ =	swait.ge [sflag:s12], $0x320  }
0x1c: {  	p0 =	seq.s32 s21, $0x0;
	[sflag:s12] =	ssyncset.done $0x0  }
0x1d: {  	s24 =	simm.s32 @!p0 $0x4;
	[sflag:s12] =	ssyncadd.s32 $0xFFFFFCE0  }
0x1e: {  	_ =	swait.ge @!p0 [sflag:s24], $0xC800  }
0x1f: {  	[sflag:s24] =	ssyncset.done @!p0 $0x0  }
0x20: {  	[sflag:s24] =	ssyncadd.s32 @!p0 $0xFFFF3800  }
0x21: {  	[tilespmem:s15], [sflag:$0x2] =	stream.indirect.gather [hbm4b:s6+s13], $0x40, s13, s13, $0xb8;
	[tilespmem:$0x1C840] =	vst v63  }
0x22: {  	_ =	swait.ge [sflag:s16], $0xC800  }
0x23: {  	[sflag:s16] =	ssyncset.done $0x0  }
0x24: {  	s24 =	simm.s32 $0x0;
	[sflag:s16] =	ssyncadd.s32 $0xFFFF3800  }
0x25: {  	v0 =	vld [tilespmem:s24+$0x19670]  }
0x26: {  	v1 =	vld [tilespmem:s24+$0x19640];
	_ =	sdelay $0x1  }
0x27: {  	v2 =	vld [tilespmem:s24+$0x19650]  }
0x28: {  	v3 =	vld [tilespmem:s24+$0x19660]  }
0x29: {  	[tilespmem:s24+$0x9C70] =	vst.add.f32.msk $0xffff, v0  }
0x2a: {  	[tilespmem:s24+$0x640] =	vst.add.f32.msk $0xffff, v1  }
0x2b: {  	[tilespmem:s24+$0x3840] =	vst.add.f32.msk $0xffff, v1  }
0x2c: {  	[tilespmem:s24+$0x6A40] =	vst.add.f32.msk $0xffff, v1  }
0x2d: {  	[tilespmem:s24+$0x9C40] =	vst.add.f32.msk $0xffff, v1  }
0x2e: {  	[tilespmem:s24+$0x650] =	vst.add.f32.msk $0xffff, v2  }
0x2f: {  	[tilespmem:s24+$0x3850] =	vst.add.f32.msk $0xffff, v2  }
0x30: {  	[tilespmem:s24+$0x6A50] =	vst.add.f32.msk $0xffff, v2  }
0x31: {  	[tilespmem:s24+$0x9C50] =	vst.add.f32.msk $0xffff, v2  }
0x32: {  	[tilespmem:s24+$0x660] =	vst.add.f32.msk $0xffff, v3  }
0x33: {  	[tilespmem:s24+$0x3860] =	vst.add.f32.msk $0xffff, v3  }
0x34: {  	[tilespmem:s24+$0x6A60] =	vst.add.f32.msk $0xffff, v3  }
0x35: {  	[tilespmem:s24+$0x9C60] =	vst.add.f32.msk $0xffff, v3  }
0x36: {  	[tilespmem:s24+$0x670] =	vst.add.f32.msk $0xffff, v0  }
0x37: {  	s26 =	simm.s32 $0x40;
	s25 =	simm.s32 $0x200;
	[tilespmem:s24+$0x3870] =	vst.add.f32.msk $0xffff, v0  }
.LBB2_3:
0x38: {  	p0 =	sne.s32 s25, $0xC700;
	v1 =	vld [tilespmem:s26+$0x19670]  }
0x39: {  	v2 =	vld [tilespmem:s26+$0x19640]  }
0x3a: {  	v3 =	vld [tilespmem:s26+$0x19650]  }
0x3b: {  	v4 =	vld [tilespmem:s26+$0x19660]  }
0x3c: {  	[tilespmem:s24+$0x6A70] =	vst.add.f32.msk $0xffff, v0;
	s24 =	smov.u32 s26  }
0x3d: {  	[tilespmem:s24+$0x9C70] =	vst.add.f32.msk $0xffff, v1;
	v0 =	vmov v1  }
0x3e: {  	[tilespmem:s24+$0x640] =	vst.add.f32.msk $0xffff, v2  }
0x3f: {  	[tilespmem:s24+$0x3840] =	vst.add.f32.msk $0xffff, v2  }
0x40: {  	[tilespmem:s24+$0x6A40] =	vst.add.f32.msk $0xffff, v2  }
0x41: {  	[tilespmem:s24+$0x9C40] =	vst.add.f32.msk $0xffff, v2  }
0x42: {  	[tilespmem:s24+$0x650] =	vst.add.f32.msk $0xffff, v3  }
0x43: {  	[tilespmem:s24+$0x3850] =	vst.add.f32.msk $0xffff, v3  }
0x44: {  	[tilespmem:s24+$0x6A50] =	vst.add.f32.msk $0xffff, v3  }
0x45: {  	[tilespmem:s24+$0x9C50] =	vst.add.f32.msk $0xffff, v3  }
0x46: {  	[tilespmem:s24+$0x660] =	vst.add.f32.msk $0xffff, v4  }
.Ltmp0:
0x47: {  	[tilespmem:s24+$0x3860] =	vst.add.f32.msk $0xffff, v4;
	(pc) =	sbr.rel @p0 .LBB2_3-.Ltmp0, $4  }
0x48: {  	[tilespmem:s24+$0x6A60] =	vst.add.f32.msk $0xffff, v4  }
0x49: {  	[tilespmem:s24+$0x9C60] =	vst.add.f32.msk $0xffff, v4  }
0x4a: {  	[tilespmem:s24+$0x670] =	vst.add.f32.msk $0xffff, v0  }
0x4b: {  	s26 =	sshra.s32 s25, $0x2;
	s25 =	sadd.s32 $0x100, s25;
	[tilespmem:s24+$0x3870] =	vst.add.f32.msk $0xffff, v0  }
0x4c: {  	v1 =	vld [tilespmem:s26+$0x19670]  }
0x4d: {  	v2 =	vld [tilespmem:s26+$0x19640]  }
0x4e: {  	v3 =	vld [tilespmem:s26+$0x19650]  }
0x4f: {  	v4 =	vld [tilespmem:s26+$0x19660]  }
0x50: {  	[tilespmem:s24+$0x6A70] =	vst.add.f32.msk $0xffff, v0  }
0x51: {  	[tilespmem:s26+$0x9C70] =	vst.add.f32.msk $0xffff, v1  }
0x52: {  	[tilespmem:s26+$0x640] =	vst.add.f32.msk $0xffff, v2  }
0x53: {  	[tilespmem:s26+$0x3840] =	vst.add.f32.msk $0xffff, v2  }
0x54: {  	[tilespmem:s26+$0x6A40] =	vst.add.f32.msk $0xffff, v2  }
0x55: {  	[tilespmem:s26+$0x9C40] =	vst.add.f32.msk $0xffff, v2  }
0x56: {  	[tilespmem:s26+$0x650] =	vst.add.f32.msk $0xffff, v3  }
0x57: {  	[tilespmem:s26+$0x3850] =	vst.add.f32.msk $0xffff, v3  }
0x58: {  	[tilespmem:s26+$0x6A50] =	vst.add.f32.msk $0xffff, v3  }
0x59: {  	[tilespmem:s26+$0x9C50] =	vst.add.f32.msk $0xffff, v3  }
0x5a: {  	[tilespmem:s26+$0x660] =	vst.add.f32.msk $0xffff, v4  }
0x5b: {  	[tilespmem:s26+$0x3860] =	vst.add.f32.msk $0xffff, v4  }
0x5c: {  	[tilespmem:s26+$0x6A60] =	vst.add.f32.msk $0xffff, v4  }
0x5d: {  	[tilespmem:s26+$0x9C60] =	vst.add.f32.msk $0xffff, v4  }
0x5e: {  	[tilespmem:s26+$0x670] =	vst.add.f32.msk $0xffff, v1  }
0x5f: {  	s23 =	sshll.u32 s23, $0x3;
	[tilespmem:s26+$0x3870] =	vst.add.f32.msk $0xffff, v1  }
0x60: {  	s22 =	sadd.s32 s22, s9;
	p0 =	seq.s32 s21, $0xF;
	s23 =	sadd.s32 s2, s23;
	[tilespmem:s26+$0x6A70] =	vst.add.f32.msk $0xffff, v1  }
0x61: {  	[hbm4b:s23+s3] =	stream.linear.scatter [tilespmem:s14], [sflag:$0x3], $0xC800, $0x38;
	[tilespmem:$0x1C840] =	vst v63  }
0x62: {  	s23 =	sshrl.u32 @!p0 s22, $0x3  }
0x63: {  	s23 =	sadd.s32 @!p0 s5, s23  }
0x64: {  	s24 =	simm.s32 @!p0 $0x0;
	s23 =	sadd.s32 @!p0 $0x64, s23  }
0x65: {  	[tilespmem:s24], [sflag:$0x5] =	stream.linear.gather @!p0 [hbm4b:s23+s24], $0x320, $0x38;
	[tilespmem:$0x1C840] =	vst v63  }
0x66: {  	s23 =	simm.s32 @!p0 $0x5  }
0x67: {  	_ =	swait.ge @!p0 [sflag:s23], $0x320  }
0x68: {  	[sflag:s23] =	ssyncset.done @!p0 $0x0  }
0x69: {  	[sflag:s23] =	ssyncadd.s32 @!p0 $0xFFFFFCE0;
	s23 =	simm.s32 @!p0 $0x3  }
0x6a: {  	_ =	swait.ge @!p0 [sflag:s23], $0xC800  }
0x6b: {  	[sflag:s23] =	ssyncset.done @!p0 $0x0  }
0x6c: {  	s25 =	simm.s32 @!p0 $0x640;
	[sflag:s23] =	ssyncadd.s32 @!p0 $0xFFFF3800;
	s23 =	simm.s32 @!p0 $0x320  }
0x6d: {  	[tilespmem:s25], [sflag:$0x1] =	stream.indirect.gather @!p0 [hbm4b:s6+s23], $0x40, s24, s23, $0xb8;
	[tilespmem:$0x1C840] =	vst v63  }
0x6e: {  	_ =	swait.ge [sflag:s17], $0xC800  }
0x6f: {  	[sflag:s17] =	ssyncset.done $0x0  }
0x70: {  	s23 =	simm.s32 $0x0;
	[sflag:s17] =	ssyncadd.s32 $0xFFFF3800  }
0x71: {  	v0 =	vld [tilespmem:s23+$0x19670]  }
0x72: {  	v1 =	vld [tilespmem:s23+$0x19640];
	_ =	sdelay $0x1  }
0x73: {  	v2 =	vld [tilespmem:s23+$0x19650]  }
0x74: {  	v3 =	vld [tilespmem:s23+$0x19660]  }
0x75: {  	[tilespmem:s23+$0x16470] =	vst.add.f32.msk $0xffff, v0  }
0x76: {  	[tilespmem:s23+$0xCE40] =	vst.add.f32.msk $0xffff, v1  }
0x77: {  	[tilespmem:s23+$0x10040] =	vst.add.f32.msk $0xffff, v1  }
0x78: {  	[tilespmem:s23+$0x13240] =	vst.add.f32.msk $0xffff, v1  }
0x79: {  	[tilespmem:s23+$0x16440] =	vst.add.f32.msk $0xffff, v1  }
0x7a: {  	[tilespmem:s23+$0xCE50] =	vst.add.f32.msk $0xffff, v2  }
0x7b: {  	[tilespmem:s23+$0x10050] =	vst.add.f32.msk $0xffff, v2  }
0x7c: {  	[tilespmem:s23+$0x13250] =	vst.add.f32.msk $0xffff, v2  }
0x7d: {  	[tilespmem:s23+$0x16450] =	vst.add.f32.msk $0xffff, v2  }
0x7e: {  	[tilespmem:s23+$0xCE60] =	vst.add.f32.msk $0xffff, v3  }
0x7f: {  	[tilespmem:s23+$0x10060] =	vst.add.f32.msk $0xffff, v3  }
0x80: {  	[tilespmem:s23+$0x13260] =	vst.add.f32.msk $0xffff, v3  }
0x81: {  	[tilespmem:s23+$0x16460] =	vst.add.f32.msk $0xffff, v3  }
0x82: {  	[tilespmem:s23+$0xCE70] =	vst.add.f32.msk $0xffff, v0  }
0x83: {  	s25 =	simm.s32 $0x40;
	s24 =	simm.s32 $0x200;
	[tilespmem:s23+$0x10070] =	vst.add.f32.msk $0xffff, v0  }
.LBB2_5:
0x84: {  	p0 =	sne.s32 s24, $0xC700;
	v1 =	vld [tilespmem:s25+$0x19670]  }
0x85: {  	v2 =	vld [tilespmem:s25+$0x19640]  }
0x86: {  	v3 =	vld [tilespmem:s25+$0x19650]  }
0x87: {  	v4 =	vld [tilespmem:s25+$0x19660]  }
0x88: {  	[tilespmem:s23+$0x13270] =	vst.add.f32.msk $0xffff, v0;
	s23 =	smov.u32 s25  }
0x89: {  	[tilespmem:s23+$0x16470] =	vst.add.f32.msk $0xffff, v1;
	v0 =	vmov v1  }
0x8a: {  	[tilespmem:s23+$0xCE40] =	vst.add.f32.msk $0xffff, v2  }
0x8b: {  	[tilespmem:s23+$0x10040] =	vst.add.f32.msk $0xffff, v2  }
0x8c: {  	[tilespmem:s23+$0x13240] =	vst.add.f32.msk $0xffff, v2  }
0x8d: {  	[tilespmem:s23+$0x16440] =	vst.add.f32.msk $0xffff, v2  }
0x8e: {  	[tilespmem:s23+$0xCE50] =	vst.add.f32.msk $0xffff, v3  }
0x8f: {  	[tilespmem:s23+$0x10050] =	vst.add.f32.msk $0xffff, v3  }
0x90: {  	[tilespmem:s23+$0x13250] =	vst.add.f32.msk $0xffff, v3  }
0x91: {  	[tilespmem:s23+$0x16450] =	vst.add.f32.msk $0xffff, v3  }
0x92: {  	[tilespmem:s23+$0xCE60] =	vst.add.f32.msk $0xffff, v4  }
.Ltmp1:
0x93: {  	[tilespmem:s23+$0x10060] =	vst.add.f32.msk $0xffff, v4;
	(pc) =	sbr.rel @p0 .LBB2_5-.Ltmp1, $4  }
0x94: {  	[tilespmem:s23+$0x13260] =	vst.add.f32.msk $0xffff, v4  }
0x95: {  	[tilespmem:s23+$0x16460] =	vst.add.f32.msk $0xffff, v4  }
0x96: {  	[tilespmem:s23+$0xCE70] =	vst.add.f32.msk $0xffff, v0  }
0x97: {  	s25 =	sshra.s32 s24, $0x2;
	s24 =	sadd.s32 $0x100, s24;
	[tilespmem:s23+$0x10070] =	vst.add.f32.msk $0xffff, v0  }
0x98: {  	v1 =	vld [tilespmem:s25+$0x19670]  }
0x99: {  	v2 =	vld [tilespmem:s25+$0x19640]  }
0x9a: {  	v3 =	vld [tilespmem:s25+$0x19650]  }
0x9b: {  	v4 =	vld [tilespmem:s25+$0x19660]  }
0x9c: {  	[tilespmem:s23+$0x13270] =	vst.add.f32.msk $0xffff, v0  }
0x9d: {  	[tilespmem:s25+$0x16470] =	vst.add.f32.msk $0xffff, v1  }
0x9e: {  	[tilespmem:s25+$0xCE40] =	vst.add.f32.msk $0xffff, v2  }
0x9f: {  	[tilespmem:s25+$0x10040] =	vst.add.f32.msk $0xffff, v2  }
0xa0: {  	[tilespmem:s25+$0x13240] =	vst.add.f32.msk $0xffff, v2  }
0xa1: {  	[tilespmem:s25+$0x16440] =	vst.add.f32.msk $0xffff, v2  }
0xa2: {  	[tilespmem:s25+$0xCE50] =	vst.add.f32.msk $0xffff, v3  }
0xa3: {  	[tilespmem:s25+$0x10050] =	vst.add.f32.msk $0xffff, v3  }
0xa4: {  	[tilespmem:s25+$0x13250] =	vst.add.f32.msk $0xffff, v3  }
0xa5: {  	[tilespmem:s25+$0x16450] =	vst.add.f32.msk $0xffff, v3  }
0xa6: {  	[tilespmem:s25+$0xCE60] =	vst.add.f32.msk $0xffff, v4  }
0xa7: {  	s21 =	sadd.s32 $0x1, s21;
	[tilespmem:s25+$0x10060] =	vst.add.f32.msk $0xffff, v4  }
0xa8: {  	p0 =	sne.s32 s21, $0x10;
	[tilespmem:s25+$0x13260] =	vst.add.f32.msk $0xffff, v4  }
.Ltmp2:
0xa9: {  	[tilespmem:s25+$0x16460] =	vst.add.f32.msk $0xffff, v4;
	(pc) =	sbr.rel @p0 .LBB2_2-.Ltmp2, $4  }
0xaa: {  	s22 =	sshll.u32 s22, $0x3;
	[tilespmem:s25+$0xCE70] =	vst.add.f32.msk $0xffff, v1  }
0xab: {  	s22 =	sand.u32 $0x1FFFFF00, s22;
	[tilespmem:s25+$0x10070] =	vst.add.f32.msk $0xffff, v1  }
0xac: {  	s22 =	sadd.s32 s2, s22;
	[tilespmem:s25+$0x13270] =	vst.add.f32.msk $0xffff, v1  }
0xad: {  	[hbm4b:s22+s3] =	stream.linear.scatter [tilespmem:s15], [sflag:$0x4], $0xC800, $0x38;
	[tilespmem:$0x1C840] =	vst v63  }
0xae: {  	s20 =	sadd.s32 $0x1, s20  }
0xaf: {  	_ =	swait.ge [sflag:s18], $0xC800;
	p0 =	sne.s32 s20, s10  }
.Ltmp3:
0xb0: {  	[sflag:s18] =	ssyncset.done $0x0;
	(pc) =	sbr.rel @p0 .LBB2_1-.Ltmp3, $4  }
0xb1: {  	[sflag:s18] =	ssyncadd.s32 $0xFFFF3800  }
0xb2: {  	_ =	swait.ge [sflag:s19], $0xC800  }
0xb3: {  	[sflag:s19] =	ssyncset.done $0x0  }
0xb4: {  	[sflag:s19] =	ssyncadd.s32 $0xFFFF3800  }
0xb5: {  	_ =	sfence.sel $0x180000  }
0xb6: {  	[bflag:$0x0] =	sbarrier.arrive $0xFFFF  }
0xb7: {  	p0 =	sne.s32 s0, $0x0;
	_ =	strace $0x90000047  }
0xb8: {  	s0 =	sadd.s32 @!p0 $0x100000, s1;
	[bflag:$0x2] =	sbarrier.arrive $0xFFFF  }
0xb9: {  	[sflag:s0] =	ssyncadd.tile.s32 @!p0 $0x1;
	_ =	shalt  }
.Lfunc_end2:
_tile_overlayer_lowered:
.L_overlay_start_2:
0xba: {  	(tag) =	ssettag $0x2  }
0xbb: {  	s0 =	rddreg [dreg:$0x0];
	s2 =	stileid.u32  }
0xbc: {  	s1 =	rddreg [dreg:$0x1];
	p0 =	sne.s32 s2, $0x0  }
0xbd: {  	s3 =	rddreg [dreg:$0x2];
	[bflag:$0x3] =	sbarrier.arrive $0xFFFF;
	s2 =	simm.s32 @!p0 $0x1C05  }
0xbe: {  	[timem:s3], [sflag:s2] =	dma.local @!p0 [hbm:s0], s1  }
0xbf: {  	s0 =	simm.s32 @!p0 $0x5  }
0xc0: {  	_ =	swait.ge @!p0 [sflag:s0], s1  }
0xc1: {  	s1 =	ssub.s32 @!p0 $0x0, s1;
	[sflag:s0] =	ssyncset.done @!p0 $0x0  }
0xc2: {  	[sflag:s0] =	ssyncadd.s32 @!p0 s1  }
0xc3: {  	[bflag:$0x3] =	sbarrier.arrive $0xFFFF  }
0xc4: {  	_ =	shalt  }

// kernel: sparse-core-data-format-call.cloned.1.call-start
scs
called_computation_lowered:
.L_overlay_start_0:
0x0: {  	s2 =	sld [smem:$0x3FD9]  }
0x1: {  	s3 =	sld [smem:$0x3FFE];
	_ =	sdelay $0x1  }
0x2: {  	s1 =	srdreg.scid  }
0x3: {  	s0 =	sand.u32 $0x1, s1  }
0x4: {  	s18 =	sshll.u32 s0, $0xA;
	s2 =	sadd.s32 s3, s2  }
0x5: {  	s2 =	sadd.s32 s2, s18  }
0x6: {  	[smem:$0x3FC5] =	sst s2  }
0x7: {  	_ = 	snop  }
0x8: {  	s2 =	sld [smem:$0x3FD0];
	(tm) =	ssettm $0x1  }
0x9: {  	s19 =	sld [smem:$0x3FFB];
	_ =	sdelay $0x3  }
0xa: {  	_ =	strace s19  }
0xb: {  	s3 =	sld [smem:$0x3FFC];
	_ =	sdelay $0x3  }
0xc: {  	_ =	strace s3  }
0xd: {  	s3 =	sld [smem:$0x3FFD];
	_ =	sdelay $0x3  }
0xe: {  	_ =	strace s3  }
0xf: {  	_ =	strace $0x8FFFFFFF  }
0x10: {  	s20 =	sld [smem:$0x3FDB];
	_ =	sdelay $0x1  }
0x11: {  	s4 =	simm.s32 $_scs_section_size  }
0x12: {  	s5 =	simm.s32 $_size__tile_overlayer_lowered;
	s6 =	simm.s32 $_tile_overlayer_lowered  }
0x13: {  	s23 =	simm.s32 $0x1BFF;
	s22 =	sshll.u32 s6, $0x1;
	s3 =	sadd.s32 s4, s20  }
0x14: {  	s7 =	simm.s32 $0x0;
	s21 =	sshll.u32 s5, $0x1;
	s5 =	sadd.s32 s22, s3  }
0x15: {  	[timem:s7], [sflag:s23] =	dma.local [hbm:s5], s21  }
0x16: {  	_ =	swait.ge [sflag:s23], s21  }
0x17: {  	s4 =	ssub.s32 $0x0, s21;
	[sflag:s23] =	ssyncset.done $0x0  }
0x18: {  	[sflag:s23] =	ssyncadd.s32 s4;
	_ =	sdelay $0x1  }
0x19: {  	s24 =	simm.s32 $0x1B8B  }
0x1a: {  	_ =	swait.ge [sflag:s24], $0x1  }
0x1b: {  	[sflag:s24] =	ssyncset.done $0x0  }
0x1c: {  	s26 =	simm.s32 $0x1B8E;
	s25 =	sld [smem:$0x3FFE];
	[sflag:s24] =	ssyncadd.s32 $0xFFFFFFFF  }
0x1d: {  	s27 =	simm.s32 $execute0_lowered;
	[smem:$0x3FD2] =	sst s26  }
0x1e: {  	s5 =	sshll.u32 s27, $0x1;
	_ =	strace $0x80000049;
	[dreg:$0x1] =	wrdreg $0xFFFFFFFF  }
0x1f: {  	s28 =	simm.s32 $_size_execute0_lowered;
	s3 =	sadd.s32 s3, s5;
	[dreg:$0x0] =	wrdreg $0x0  }
0x20: {  	s5 =	sshll.u32 s28, $0x1;
	[dreg:$0x2] =	wrdreg s3  }
0x21: {  	[dreg:$0x3] =	wrdreg s5  }
0x22: {  	[dreg:$0x4] =	wrdreg $0xC0  }
0x23: {  	_ =	task [dreg:s7], $0x5FFFF  }
0x24: {  	[dreg:$0x1] =	wrdreg $0xFFFFFFFF  }
0x25: {  	[dreg:$0x0] =	wrdreg $0x60  }
0x26: {  	[dreg:$0x2] =	wrdreg s25  }
0x27: {  	[dreg:$0x3] =	wrdreg s2  }
0x28: {  	[dreg:$0x4] =	wrdreg $0x9  }
0x29: {  	_ =	task.clear_ibuf [dreg:s7], $0x5FFFF;
	_ =	strace $0x90000049  }
0x2a: {  	s29 =	simm.s32 $0x9;
	_ =	strace $0x8000004B  }
0x2b: {  	_ =	swait.ge [sflag:s29], $0x1  }
0x2c: {  	[sflag:s29] =	ssyncadd.s32 $0xFFFFFFFF  }
0x2d: {  	_ =	strace $0x9000004B  }
0x2e: {  	_ =	sfence  }
0x2f: {  	s30 =	sld [smem:$0x0];
	_ =	sdelay $0x2  }
0x30: {  	s31 =	sshll.u32 s1, $0xD;
	s1 =	sshrl.u32 s1, $0x2  }
0x31: {  	s3 =	sand.u32 $0x4000, s31;
	s1 =	sadd.s32 s1, s30  }
0x32: {  	s0 =	sor.u32 s3, s0;
	s1 =	sshll.u32 s1, $0x11  }
0x33: {  	s0 =	sor.u32 s1, s0  }
0x34: {  	s0 =	sadd.s32 $0x8F2B, s0  }
0x35: {  	[sflag:s0] =	ssyncadd.remote.s32 $0x1  }
0x36: {  	_ =	sfence.sel $0xFFFF  }
0x37: {  	[dreg:$0x0] =	wrdreg $0xFFFFFFFF;
	(pc) =	sbr.abs _section_cstart, $3  }
0x38: {  	[dreg:$0x1] =	wrdreg $0xFFFFFFFF  }
0x39: {  	_ =	task.clear_ibuf [dreg:s7], $0x2FFFF;
	_ =	strace $0x9FFFFFFF  }
0x3a: {  	(tm) =	ssettm $0x7FFFFFFF  }
0x3b: {  	_ =	shalt  }
tec
execute0_lowered:
.L_overlay_start_1:
0x0: {  	(tag) =	ssettag $0x1  }
0x1: {  	s0 =	srdreg.scid  }
0x2: {  	s1 =	sshll.u32 s0, $0x4  }
0x3: {  	s0 =	stileid.u32;
	s1 =	sand.u32 $0x10, s1  }
0x4: {  	s1 =	sor.u32 s0, s1  }
0x5: {  	s6 =	rddreg [dreg:$0x0];
	s4 =	simm.s32 $0x1;
	s2 =	sshll.u32 s1, $0x7  }
0x6: {  	s7 =	simm.s32 $0x2;
	s12 =	simm.s32 $0x0;
	s1 =	ssub.s32 $0x1000, s2  }
0x7: {  	s8 =	simm.s32 $0x8000;
	s13 =	simm.s32 $0x0;
	s3 =	sand.u32 $0xF80, s1  }
0x8: {  	s9 =	simm.s32 $0x0;
	s5 =	sshrl.u32 s1, $0xC;
	p0 =	sne.s32 s3, $0x0  }
.Ltmp0:
0x9: {  	s1 =	rddreg [dreg:$0x2];
	s4 =	simm.s32 @!p0 $0x0;
	(pc) =	sbr.rel .LBB1_1-.Ltmp0, $4  }
0xa: {  	s11 =	simm.s32 $0x0;
	s3 =	rddreg [dreg:$0x1];
	s5 =	sadd.s32 s4, s5  }
0xb: {  	_ =	strace $0x8000004A;
	s4 =	simm.s32 $0x1;
	s5 =	smul.u32 $0xC8, s5  }
0xc: {  	s6 =	sadd.s32 $0x800, s6;
	s10 =	smov.u32 s2;
	[sflag:s4] =	ssyncpa.u1 $0x0  }
0xd: {  	p0 =	por $0x0, $0x0;
	[sflag:s7] =	ssyncpa.u1 $0x0;
	s7 =	sor.u32 $0x1, s5  }
.LBB1_4:
0xe: {  	s16 =	sshll.u32 s13, $0x3;
	s17 =	sand.u32 $0x78, s13  }
0xf: {  	s30 =	sand.u32 $0x7E00, s13;
	s12 =	sshll.u32 s12, $0xF;
	s16 =	sand.u32 $0xC00, s16  }
0x10: {  	[tilespmem:s15+$0x810 ss:$0x81] =	vst.msk $0xffff, v2;
	s31 =	sand.u32 $0x7, s13;
	s16 =	sor.u32 s17, s16;
	s17 =	sadd.s32 s3, s30  }
0x11: {  	[tilespmem:s15+$0x1020 ss:$0x81] =	vst.msk $0xffff, v0;
	s13 =	sshll.u32 s31, $0x12;
	s12 =	sadd.s32 s12, s17;
	s16 =	sshrl.u32 s16, $0x3  }
0x12: {  	[tilespmem:s15+$0x0 ss:$0x81] =	vst.msk $0xffff, v1;
	s13 =	sor.u32 $0x400, s13;
	s12 =	sadd.s32 s16, s12  }
0x13: {  	[hbm4b:s12+s13] =	stream.strided.scatter [tilespmem:s14], [sflag:$0x2], $0x2000, s8, s13, $0x20;
	[tilespmem:$0x8080] =	vst v63  }
.LBB1_5:
0x14: {  	s14 =	sadd.s32 $0x1, s9  }
0x15: {  	s12 =	sadd.s32 $0x1000, s10;
	s16 =	smov.u32 s10;
	p2 =	sgt.s32 s14, $0xC7  }
0x16: {  	s16 =	smov.u32 @p2 s12  }
0x17: {  	s14 =	simm.s32 @p2 $0x0;
	p2 =	sgt.s32 s16, $0xFFF  }
0x18: {  	s16 =	smov.u32 @p2 s2;
	p2 =	sne.s32 s11, s7  }
.Ltmp1:
0x19: {  	p1 =	slt.u32 s11, $0x2;
	(pc) =	sbr.rel @!p2 .LBB1_6-.Ltmp1, $4  }
0x1a: {  	s15 =	simm.s32 @!p1 $0x2  }
0x1b: {  	s13 =	smov.u32 s10;
	p0 =	por !p0, !p0;
	_ =	swait.ge @!p1 [sflag:s15], $0x2000  }
0x1c: {  	s12 =	smov.u32 s9;
	[sflag:s15] =	ssyncset.done @!p1 $0x0;
	s9 =	smov.u32 s14  }
0x1d: {  	s11 =	sadd.s32 $0x1, s11;
	[sflag:s15] =	ssyncadd.s32 @!p1 $0xFFFFE000;
	s10 =	smov.u32 s16  }
.LBB1_1:
0x1e: {  	p1 =	sge.u32 s11, s5  }
0x1f: {  	s14 =	sand.u32 @!p1 $0x1FFFFFF, s9  }
0x20: {  	s15 =	smulhi.u32 @!p1 $0x147AE15, s14;
	_ =	sdelay $0x1  }
0x21: {  	s15 =	smul.u32 @!p1 $0xC8, s15  }
0x22: {  	s16 =	sxor.u32 @!p1 $0xFFFFFFFF, s11;
	s17 =	smul.u32 @!p1 $0xC80, s10  }
0x23: {  	s31 =	sadd.s32 $0xFFFFFFFF, s11;
	s16 =	sshll.u32 @!p1 s16, $0xD;
	s14 =	ssub.s32 @!p1 s14, s15  }
0x24: {  	s15 =	sand.u32 @!p1 $0x2000, s16;
	s16 =	sadd.s32 @!p1 s6, s17;
	s14 =	sshll.u32 @!p1 s14, $0x4  }
0x25: {  	s17 =	simm.s32 @!p1 $0x6400;
	s14 =	sadd.s32 @!p1 s14, s16;
	s16 =	simm.s32 @!p1 $0x40  }
0x26: {  	[tilespmem:s15], [sflag:$0x1] =	stream.strided.gather @!p1 [hbm4b:s14+s16], $0x2000, s17, s16, $0x38;
	[tilespmem:$0x8080] =	vst v63  }
0x27: {  	p1 =	sge.u32 s31, s5  }
.Ltmp2:
0x28: {  	_ = 	snop;
	(pc) =	sbr.rel @p1 .LBB1_5-.Ltmp2, $1  }
0x29: {  	_ =	sdelay $0x3  }
0x2a: {  	s14 =	simm.s32 $0x1  }
0x2b: {  	_ =	swait.ge [sflag:s4], $0x2000;
	s14 =	simm.s32 @!p0 $0x0  }
0x2c: {  	[sflag:s4] =	ssyncset.done $0x0;
	s15 =	sshll.u32 s14, $0xD  }
0x2d: {  	[sflag:s4] =	ssyncadd.s32 $0xFFFFE000;
	s18 =	sor.u32 $0x20, s15  }
0x2e: {  	s14 =	smul.u32 $0x8100, s14;
	v3 =	vld [tilespmem:s18+$0x10]  }
0x2f: {  	s30 =	sand.u32 $0x1, s11;
	v2 =	vld [tilespmem:s18+$0xFFFFFFF0]  }
0x30: {  	s15 =	smul.u32 $0x8100, s30;
	s14 =	sshrl.u32 s14, $0x2;
	v0 =	vld [tilespmem:s18+$0x0]  }
0x31: {  	v1 =	vld [tilespmem:s18+$0xFFFFFFE0];
	s16 =	sor.u32 $0x4000, s14  }
0x32: {  	s31 =	sshrl.u32 s15, $0x2;
	s15 =	sadd.s32 $0x0, s16  }
0x33: {  	s17 =	simm.s32 $0x4;
	s18 =	sadd.s32 $0x40, s18;
	s14 =	sor.u32 $0x4000, s31;
	[tilespmem:s15+$0x1830 ss:$0x81] =	vst.msk $0xffff, v3  }
.LBB1_3:
0x34: {  	v3 =	vld [tilespmem:s18+$0x10];
	p1 =	sne.s32 s17, $0x1FC;
	[tilespmem:s15+$0x810 ss:$0x81] =	vst.msk $0xffff, v2;
	s19 =	smov.u32 s17;
	s17 =	sadd.s32 $0x4, s17  }
.Ltmp3:
0x35: {  	v2 =	vld [tilespmem:s18+$0xFFFFFFF0];
	[tilespmem:s15+$0x1020 ss:$0x81] =	vst.msk $0xffff, v0;
	(pc) =	sbr.rel @p1 .LBB1_3-.Ltmp3, $4  }
0x36: {  	v0 =	vld [tilespmem:s18+$0x0];
	[tilespmem:s15+$0x0 ss:$0x81] =	vst.msk $0xffff, v1  }
0x37: {  	s15 =	sshra.s32 s19, $0x2;
	v1 =	vld [tilespmem:s18+$0xFFFFFFE0]  }
0x38: {  	s15 =	sadd.s32 s15, s16  }
0x39: {  	s18 =	sadd.s32 $0x40, s18;
	[tilespmem:s15+$0x1830 ss:$0x81] =	vst.msk $0xffff, v3  }
.Ltmp4:
0x3a: {  	_ = 	snop;
	(pc) =	sbr.rel .LBB1_4-.Ltmp4, $1  }
0x3b: {  	_ =	sdelay $0x3  }
.LBB1_6:
0x3c: {  	_ =	sfence.sel $0x180000  }
0x3d: {  	s2 =	simm.s32 $0x1;
	[bflag:$0x0] =	sbarrier.arrive $0xFFFF  }
0x3e: {  	s31 =	simm.s32 $0x2;
	[sflag:s2] =	ssyncpa.u1 $0x1  }
0x3f: {  	[sflag:s31] =	ssyncpa.u1 $0x1  }
0x40: {  	p0 =	sne.s32 s0, $0x0;
	_ =	strace $0x9000004A  }
0x41: {  	s0 =	sadd.s32 @!p0 $0x100000, s1;
	[bflag:$0x2] =	sbarrier.arrive $0xFFFF  }
0x42: {  	[sflag:s0] =	ssyncadd.tile.s32 @!p0 $0x1;
	_ =	shalt  }
.Lfunc_end1:
_tile_overlayer_lowered:
.L_overlay_start_2:
0x43: {  	(tag) =	ssettag $0x2  }
0x44: {  	s0 =	rddreg [dreg:$0x0];
	s2 =	stileid.u32  }
0x45: {  	s1 =	rddreg [dreg:$0x1];
	p0 =	sne.s32 s2, $0x0  }
0x46: {  	s3 =	rddreg [dreg:$0x2];
	[bflag:$0x3] =	sbarrier.arrive $0xFFFF;
	s2 =	simm.s32 @!p0 $0x1C01  }
0x47: {  	[timem:s3], [sflag:s2] =	dma.local @!p0 [hbm:s0], s1  }
0x48: {  	s0 =	simm.s32 @!p0 $0x1  }
0x49: {  	_ =	swait.ge @!p0 [sflag:s0], s1  }
0x4a: {  	s1 =	ssub.s32 @!p0 $0x0, s1;
	[sflag:s0] =	ssyncset.done @!p0 $0x0  }
0x4b: {  	[sflag:s0] =	ssyncadd.s32 @!p0 s1  }
0x4c: {  	[bflag:$0x3] =	sbarrier.arrive $0xFFFF  }
0x4d: {  	_ =	shalt  }

</sc_bundles>
